<compile_context>
chip_gen: v7x
topology: tpu7x:2x2x1
jax: 0.10.2.dev20260603
libtpu: 0.0.44.dev20260713+nightly
codegen_flags: <defaults>
</compile_context>

<pallas_src>
import functools

import jax
import jax.numpy as jnp
from jax import lax
from jax.experimental import pallas as pl
from jax.experimental.pallas import tpu as pltpu
from jax.experimental.pallas import tpu_sc as plsc

_NC = 2
_NS = 16
_L = 16
_NW = _NC * _NS


def _distmult_body(edge_ref, ent_ref, rel_ref, out_ref,
                   hidx, tidx, hrows, trows, relv, outv, hsem, tsem):
    b_per_w = hidx.shape[0]
    d_model = hrows.shape[1]
    wid = lax.axis_index("s") * _NC + lax.axis_index("c")
    base = wid * b_per_w

    pltpu.sync_copy(edge_ref.at[0, pl.ds(base, b_per_w)], hidx)
    pltpu.sync_copy(edge_ref.at[1, pl.ds(base, b_per_w)], tidx)
    pltpu.sync_copy(rel_ref.at[0], relv)
    hcopy = pltpu.async_copy(ent_ref.at[hidx], hrows, hsem)
    tcopy = pltpu.async_copy(ent_ref.at[tidx], trows, tsem)
    hcopy.wait()
    tcopy.wait()

    lanes = lax.iota(jnp.int32, _L)
    r_parts = [relv[pl.ds(c * _L, _L)] for c in range(d_model // _L)]
    rscal = [r_parts[d // _L][d % _L] for d in range(d_model)]

    def group(g, carry):
        eidx = g * _L + lanes
        acc = jnp.zeros((_L,), jnp.float32)
        for d in range(d_model):
            cd = jnp.full((_L,), d, jnp.int32)
            hcol = plsc.load_gather(hrows, [eidx, cd])
            tcol = plsc.load_gather(trows, [eidx, cd])
            acc = acc + hcol * tcol * rscal[d]
        sig = 1.0 / (1.0 + jnp.exp(-acc))
        outv[pl.ds(g * _L, _L)] = sig
        return carry

    lax.fori_loop(0, b_per_w // _L, group, 0)
    pltpu.sync_copy(outv, out_ref.at[pl.ds(base, b_per_w)])


def kernel(edge_index, entity_emb, relation_emb):
    num_edges = edge_index.shape[1]
    d_model = entity_emb.shape[1]
    b_per_w = num_edges // _NW
    mesh = plsc.VectorSubcoreMesh(core_axis_name="c", subcore_axis_name="s")
    k = functools.partial(
        pl.kernel,
        mesh=mesh,
        out_type=jax.ShapeDtypeStruct((num_edges,), jnp.float32),
        compiler_params=pltpu.CompilerParams(
            needs_layout_passes=False, use_tc_tiling_on_sc=False,
            skip_device_barrier=True),
        scratch_types=[
            pltpu.VMEM((b_per_w,), jnp.int32),
            pltpu.VMEM((b_per_w,), jnp.int32),
            pltpu.VMEM((b_per_w, d_model), jnp.float32),
            pltpu.VMEM((b_per_w, d_model), jnp.float32),
            pltpu.VMEM((d_model,), jnp.float32),
            pltpu.VMEM((b_per_w,), jnp.float32),
            pltpu.SemaphoreType.DMA,
            pltpu.SemaphoreType.DMA,
        ],
    )(_distmult_body)
    return k(edge_index, entity_emb, relation_emb)

# --- scband reference (transcript-rebuilt; emitter-appended) ---
"""Pipeline reference for scband-dist-mult-90271622627868 (READ-ONLY COPY).

The authoritative reference and input builder live on the scoring server;
editing this copy changes nothing except your own understanding.
"""

import jax, jax.numpy as jnp
import numpy as np

NUM_ENTITIES = 1000000
EMBED_DIM = 32
NUM_RELATIONS = 1
NUM_EDGES = 16384


def _xavier_uniform(key, shape):
    fan_in, fan_out = shape[0], shape[1]
    limit = float(np.sqrt(6.0 / (fan_in + fan_out)))
    return jax.random.uniform(key, shape, dtype=jnp.float32, minval=-limit, maxval=limit)


def setup_inputs(seed: int = 0) -> dict:
    key = jax.random.key(seed)
    k1, k2, k3 = jax.random.split(key, 3)
    edge_index = jax.random.randint(k1, (2, NUM_EDGES), 0, NUM_ENTITIES, dtype=jnp.int32)
    entity_emb = _xavier_uniform(k2, (NUM_ENTITIES, EMBED_DIM))
    relation_emb = _xavier_uniform(k3, (NUM_RELATIONS, EMBED_DIM))
    return {"edge_index": edge_index, "entity_emb": entity_emb, "relation_emb": relation_emb}


def reference(edge_index, entity_emb, relation_emb):
    # DistMult forward (eval mode: dropout is identity).
    # score(h, r, t) = sum(e_h * w_r * e_t); output = sigmoid(score)
    head_idx = edge_index[0]
    tail_idx = edge_index[1]
    e_h = jnp.take(entity_emb, head_idx, axis=0)   # gather [E, D]
    e_t = jnp.take(entity_emb, tail_idx, axis=0)   # gather [E, D]
    rel = jnp.zeros((head_idx.shape[0],), dtype=jnp.int32)  # rel_idx=0 expanded
    w_r = jnp.take(relation_emb, rel, axis=0)      # gather [E, D]
    score = jnp.sum(e_h * w_r * e_t, axis=-1)
    return jax.nn.sigmoid(score)

if __name__ == "__main__":
    import jax
    _d = setup_inputs()
    print(jax.jit(kernel)(*tuple(_d.values())))

</pallas_src>

<mosaic_0001>
#map = affine_map<(d0, d1) -> (0, 0)>
#map1 = affine_map<(d0, d1) -> (0)>
module attributes {stable_mosaic.version = 14 : i64} {
  func.func @_distmult_body(%arg0: i32, %arg1: i32, %arg2: memref<2x16384xi32, #tpu.memory_space<hbm>>, %arg3: memref<1000000x32xf32, #tpu.memory_space<hbm>>, %arg4: memref<1x32xf32, #tpu.memory_space<hbm>>, %arg5: memref<16384xf32, #tpu.memory_space<hbm>>, %arg6: memref<512xi32, #tpu.memory_space<vmem>>, %arg7: memref<512xi32, #tpu.memory_space<vmem>>, %arg8: memref<512x32xf32, #tpu.memory_space<vmem>>, %arg9: memref<512x32xf32, #tpu.memory_space<vmem>>, %arg10: memref<32xf32, #tpu.memory_space<vmem>>, %arg11: memref<512xf32, #tpu.memory_space<vmem>>, %arg12: memref<!tpu.dma_semaphore, #tpu.memory_space<semaphore_mem>>, %arg13: memref<!tpu.dma_semaphore, #tpu.memory_space<semaphore_mem>>) attributes {dimension_semantics = [#tpu.dimension_semantics<core_parallel>, #tpu.dimension_semantics<subcore_parallel>], iteration_bounds = array<i64: 2, 16>, scalar_prefetch = 0 : i64, scratch_operands = 8 : i64, tpu.core_type = #tpu.core_type<sc_vector_subcore>, window_params = [{transform_indices = #map}, {transform_indices = #map}, {transform_indices = #map}, {transform_indices = #map1}]} {
    %mul3A = arith.constant 2 : i32
    %mul3A_0 = arith.muli %arg1, %mul3A : i32
    %add3A = arith.addi %mul3A_0, %arg0 : i32
    %mul3A_1 = arith.constant 512 : i32
    %mul3A_2 = arith.muli %add3A, %mul3A_1 : i32
    %run_scoped3A = arith.constant 0 : i32
    "tpu.region"() ({
      %run_scoped3A_85 = tpu.sem_alloc : memref<!tpu.dma_semaphore, #tpu.memory_space<semaphore_mem>>
      %dma_start3A_86 = tpu.memref_slice %arg2[%run_scoped3A, %mul3A_2] : memref<2x16384xi32, #tpu.memory_space<hbm>> -> memref<1x512xi32, #tpu.memory_space<hbm>>
      %dma_start3A_87 = tpu.memref_squeeze %dma_start3A_86 : memref<1x512xi32, #tpu.memory_space<hbm>> -> memref<512xi32, #tpu.memory_space<hbm>>
      %dma_start3A_88 = tpu.memref_slice %arg2[%run_scoped3A, %mul3A_2] : memref<2x16384xi32, #tpu.memory_space<hbm>> -> memref<1x512xi32, #tpu.memory_space<hbm>>
      %dma_start3A_89 = tpu.memref_squeeze %dma_start3A_88 : memref<1x512xi32, #tpu.memory_space<hbm>> -> memref<512xi32, #tpu.memory_space<hbm>>
      tpu.enqueue_dma source(%dma_start3A_89 : memref<512xi32, #tpu.memory_space<hbm>>) target(%arg6 : memref<512xi32, #tpu.memory_space<vmem>>) target_semaphore(%run_scoped3A_85 : memref<!tpu.dma_semaphore, #tpu.memory_space<semaphore_mem>>)
      %dma_wait3A_90 = tpu.memref_slice %arg2[%run_scoped3A, %mul3A_2] : memref<2x16384xi32, #tpu.memory_space<hbm>> -> memref<1x512xi32, #tpu.memory_space<hbm>>
      %dma_wait3A_91 = tpu.memref_squeeze %dma_wait3A_90 : memref<1x512xi32, #tpu.memory_space<hbm>> -> memref<512xi32, #tpu.memory_space<hbm>>
      %dma_wait3A_92 = tpu.memref_slice %arg2[%run_scoped3A, %mul3A_2] : memref<2x16384xi32, #tpu.memory_space<hbm>> -> memref<1x512xi32, #tpu.memory_space<hbm>>
      %dma_wait3A_93 = tpu.memref_squeeze %dma_wait3A_92 : memref<1x512xi32, #tpu.memory_space<hbm>> -> memref<512xi32, #tpu.memory_space<hbm>>
      tpu.wait_dma2 semaphore(%run_scoped3A_85 : memref<!tpu.dma_semaphore, #tpu.memory_space<semaphore_mem>>) src(%dma_wait3A_93 : memref<512xi32, #tpu.memory_space<hbm>>) dst(%arg6 : memref<512xi32, #tpu.memory_space<vmem>>)
      tpu.yield
    }) : () -> ()
    %run_scoped3A_3 = arith.constant 1 : i32
    "tpu.region"() ({
      %run_scoped3A_85 = tpu.sem_alloc : memref<!tpu.dma_semaphore, #tpu.memory_space<semaphore_mem>>
      %dma_start3A_86 = tpu.memref_slice %arg2[%run_scoped3A_3, %mul3A_2] : memref<2x16384xi32, #tpu.memory_space<hbm>> -> memref<1x512xi32, #tpu.memory_space<hbm>>
      %dma_start3A_87 = tpu.memref_squeeze %dma_start3A_86 : memref<1x512xi32, #tpu.memory_space<hbm>> -> memref<512xi32, #tpu.memory_space<hbm>>
      %dma_start3A_88 = tpu.memref_slice %arg2[%run_scoped3A_3, %mul3A_2] : memref<2x16384xi32, #tpu.memory_space<hbm>> -> memref<1x512xi32, #tpu.memory_space<hbm>>
      %dma_start3A_89 = tpu.memref_squeeze %dma_start3A_88 : memref<1x512xi32, #tpu.memory_space<hbm>> -> memref<512xi32, #tpu.memory_space<hbm>>
      tpu.enqueue_dma source(%dma_start3A_89 : memref<512xi32, #tpu.memory_space<hbm>>) target(%arg7 : memref<512xi32, #tpu.memory_space<vmem>>) target_semaphore(%run_scoped3A_85 : memref<!tpu.dma_semaphore, #tpu.memory_space<semaphore_mem>>)
      %dma_wait3A_90 = tpu.memref_slice %arg2[%run_scoped3A_3, %mul3A_2] : memref<2x16384xi32, #tpu.memory_space<hbm>> -> memref<1x512xi32, #tpu.memory_space<hbm>>
      %dma_wait3A_91 = tpu.memref_squeeze %dma_wait3A_90 : memref<1x512xi32, #tpu.memory_space<hbm>> -> memref<512xi32, #tpu.memory_space<hbm>>
      %dma_wait3A_92 = tpu.memref_slice %arg2[%run_scoped3A_3, %mul3A_2] : memref<2x16384xi32, #tpu.memory_space<hbm>> -> memref<1x512xi32, #tpu.memory_space<hbm>>
      %dma_wait3A_93 = tpu.memref_squeeze %dma_wait3A_92 : memref<1x512xi32, #tpu.memory_space<hbm>> -> memref<512xi32, #tpu.memory_space<hbm>>
      tpu.wait_dma2 semaphore(%run_scoped3A_85 : memref<!tpu.dma_semaphore, #tpu.memory_space<semaphore_mem>>) src(%dma_wait3A_93 : memref<512xi32, #tpu.memory_space<hbm>>) dst(%arg7 : memref<512xi32, #tpu.memory_space<vmem>>)
      tpu.yield
    }) : () -> ()
    %run_scoped3A_4 = arith.constant 0 : i32
    "tpu.region"() ({
      %run_scoped3A_85 = tpu.sem_alloc : memref<!tpu.dma_semaphore, #tpu.memory_space<semaphore_mem>>
      %dma_start3A_86 = arith.constant 0 : i32
      %dma_start3A_87 = tpu.memref_slice %arg4[%run_scoped3A_4, %dma_start3A_86] : memref<1x32xf32, #tpu.memory_space<hbm>> -> memref<1x32xf32, #tpu.memory_space<hbm>>
      %dma_start3A_88 = tpu.memref_squeeze %dma_start3A_87 : memref<1x32xf32, #tpu.memory_space<hbm>> -> memref<32xf32, #tpu.memory_space<hbm>>
      %dma_start3A_89 = arith.constant 0 : i32
      %dma_start3A_90 = tpu.memref_slice %arg4[%run_scoped3A_4, %dma_start3A_89] : memref<1x32xf32, #tpu.memory_space<hbm>> -> memref<1x32xf32, #tpu.memory_space<hbm>>
      %dma_start3A_91 = tpu.memref_squeeze %dma_start3A_90 : memref<1x32xf32, #tpu.memory_space<hbm>> -> memref<32xf32, #tpu.memory_space<hbm>>
      tpu.enqueue_dma source(%dma_start3A_91 : memref<32xf32, #tpu.memory_space<hbm>>) target(%arg10 : memref<32xf32, #tpu.memory_space<vmem>>) target_semaphore(%run_scoped3A_85 : memref<!tpu.dma_semaphore, #tpu.memory_space<semaphore_mem>>)
      %dma_wait3A_92 = arith.constant 0 : i32
      %dma_wait3A_93 = tpu.memref_slice %arg4[%run_scoped3A_4, %dma_wait3A_92] : memref<1x32xf32, #tpu.memory_space<hbm>> -> memref<1x32xf32, #tpu.memory_space<hbm>>
      %dma_wait3A_94 = tpu.memref_squeeze %dma_wait3A_93 : memref<1x32xf32, #tpu.memory_space<hbm>> -> memref<32xf32, #tpu.memory_space<hbm>>
      %dma_wait3A_95 = arith.constant 0 : i32
      %dma_wait3A_96 = tpu.memref_slice %arg4[%run_scoped3A_4, %dma_wait3A_95] : memref<1x32xf32, #tpu.memory_space<hbm>> -> memref<1x32xf32, #tpu.memory_space<hbm>>
      %dma_wait3A_97 = tpu.memref_squeeze %dma_wait3A_96 : memref<1x32xf32, #tpu.memory_space<hbm>> -> memref<32xf32, #tpu.memory_space<hbm>>
      tpu.wait_dma2 semaphore(%run_scoped3A_85 : memref<!tpu.dma_semaphore, #tpu.memory_space<semaphore_mem>>) src(%dma_wait3A_97 : memref<32xf32, #tpu.memory_space<hbm>>) dst(%arg10 : memref<32xf32, #tpu.memory_space<vmem>>)
      tpu.yield
    }) : () -> ()
    %dma_start3A = arith.constant 0 : i32
    %dma_start3A_5 = arith.constant 0 : i32
    %dma_start3A_6 = tpu.memref_slice %arg3[%dma_start3A, %dma_start3A_5] : memref<1000000x32xf32, #tpu.memory_space<hbm>> -> memref<1000000x32xf32, #tpu.memory_space<hbm>>
    tpu.enqueue_indirect_dma source(%dma_start3A_6 : memref<1000000x32xf32, #tpu.memory_space<hbm>>) target(%arg8 : memref<512x32xf32, #tpu.memory_space<vmem>>) offsets(%arg6 : memref<512xi32, #tpu.memory_space<vmem>>) semaphore(%arg12 : memref<!tpu.dma_semaphore, #tpu.memory_space<semaphore_mem>>)
    %dma_start3A_7 = arith.constant 0 : i32
    %dma_start3A_8 = arith.constant 0 : i32
    %dma_start3A_9 = tpu.memref_slice %arg3[%dma_start3A_7, %dma_start3A_8] : memref<1000000x32xf32, #tpu.memory_space<hbm>> -> memref<1000000x32xf32, #tpu.memory_space<hbm>>
    tpu.enqueue_indirect_dma source(%dma_start3A_9 : memref<1000000x32xf32, #tpu.memory_space<hbm>>) target(%arg9 : memref<512x32xf32, #tpu.memory_space<vmem>>) offsets(%arg7 : memref<512xi32, #tpu.memory_space<vmem>>) semaphore(%arg13 : memref<!tpu.dma_semaphore, #tpu.memory_space<semaphore_mem>>)
    %dma_wait3A = arith.constant 0 : i32
    %dma_wait3A_10 = arith.constant 0 : i32
    %dma_wait3A_11 = tpu.memref_slice %arg3[%dma_wait3A, %dma_wait3A_10] : memref<1000000x32xf32, #tpu.memory_space<hbm>> -> memref<1000000x32xf32, #tpu.memory_space<hbm>>
    tpu.wait_indirect_dma semaphore(%arg12 : memref<!tpu.dma_semaphore, #tpu.memory_space<semaphore_mem>>) src(%dma_wait3A_11 : memref<1000000x32xf32, #tpu.memory_space<hbm>>) dst(%arg8 : memref<512x32xf32, #tpu.memory_space<vmem>>)
    %dma_wait3A_12 = arith.constant 0 : i32
    %dma_wait3A_13 = arith.constant 0 : i32
    %dma_wait3A_14 = tpu.memref_slice %arg3[%dma_wait3A_12, %dma_wait3A_13] : memref<1000000x32xf32, #tpu.memory_space<hbm>> -> memref<1000000x32xf32, #tpu.memory_space<hbm>>
    tpu.wait_indirect_dma semaphore(%arg13 : memref<!tpu.dma_semaphore, #tpu.memory_space<semaphore_mem>>) src(%dma_wait3A_14 : memref<1000000x32xf32, #tpu.memory_space<hbm>>) dst(%arg9 : memref<512x32xf32, #tpu.memory_space<vmem>>)
    %iota3A = tpu.iota {dimensions = array<i32: 0>} : vector<16xi32>
    %get3A = arith.constant 0 : index
    %get3A_15 = tpu.vector_load %arg10[%get3A] {strides = array<i32>} : memref<32xf32, #tpu.memory_space<vmem>>, vector<16xf32>,
    %get3A_16 = arith.constant 16 : index
    %get3A_17 = tpu.vector_load %arg10[%get3A_16] {strides = array<i32>} : memref<32xf32, #tpu.memory_space<vmem>>, vector<16xf32>,
    %slice3A = vector.extract_strided_slice %get3A_15 {offsets = [0], sizes = [1], strides = [1]} : vector<16xf32> to vector<1xf32>
    %squeeze3A = vector.extract %slice3A[0] : f32 from vector<1xf32>
    %slice3A_18 = vector.extract_strided_slice %get3A_15 {offsets = [1], sizes = [1], strides = [1]} : vector<16xf32> to vector<1xf32>
    %squeeze3A_19 = vector.extract %slice3A_18[0] : f32 from vector<1xf32>
    %slice3A_20 = vector.extract_strided_slice %get3A_15 {offsets = [2], sizes = [1], strides = [1]} : vector<16xf32> to vector<1xf32>
    %squeeze3A_21 = vector.extract %slice3A_20[0] : f32 from vector<1xf32>
    %slice3A_22 = vector.extract_strided_slice %get3A_15 {offsets = [3], sizes = [1], strides = [1]} : vector<16xf32> to vector<1xf32>
    %squeeze3A_23 = vector.extract %slice3A_22[0] : f32 from vector<1xf32>
    %slice3A_24 = vector.extract_strided_slice %get3A_15 {offsets = [4], sizes = [1], strides = [1]} : vector<16xf32> to vector<1xf32>
    %squeeze3A_25 = vector.extract %slice3A_24[0] : f32 from vector<1xf32>
    %slice3A_26 = vector.extract_strided_slice %get3A_15 {offsets = [5], sizes = [1], strides = [1]} : vector<16xf32> to vector<1xf32>
    %squeeze3A_27 = vector.extract %slice3A_26[0] : f32 from vector<1xf32>
    %slice3A_28 = vector.extract_strided_slice %get3A_15 {offsets = [6], sizes = [1], strides = [1]} : vector<16xf32> to vector<1xf32>
    %squeeze3A_29 = vector.extract %slice3A_28[0] : f32 from vector<1xf32>
    %slice3A_30 = vector.extract_strided_slice %get3A_15 {offsets = [7], sizes = [1], strides = [1]} : vector<16xf32> to vector<1xf32>
    %squeeze3A_31 = vector.extract %slice3A_30[0] : f32 from vector<1xf32>
    %slice3A_32 = vector.extract_strided_slice %get3A_15 {offsets = [8], sizes = [1], strides = [1]} : vector<16xf32> to vector<1xf32>
    %squeeze3A_33 = vector.extract %slice3A_32[0] : f32 from vector<1xf32>
    %slice3A_34 = vector.extract_strided_slice %get3A_15 {offsets = [9], sizes = [1], strides = [1]} : vector<16xf32> to vector<1xf32>
    %squeeze3A_35 = vector.extract %slice3A_34[0] : f32 from vector<1xf32>
    %slice3A_36 = vector.extract_strided_slice %get3A_15 {offsets = [10], sizes = [1], strides = [1]} : vector<16xf32> to vector<1xf32>
    %squeeze3A_37 = vector.extract %slice3A_36[0] : f32 from vector<1xf32>
    %slice3A_38 = vector.extract_strided_slice %get3A_15 {offsets = [11], sizes = [1], strides = [1]} : vector<16xf32> to vector<1xf32>
    %squeeze3A_39 = vector.extract %slice3A_38[0] : f32 from vector<1xf32>
    %slice3A_40 = vector.extract_strided_slice %get3A_15 {offsets = [12], sizes = [1], strides = [1]} : vector<16xf32> to vector<1xf32>
    %squeeze3A_41 = vector.extract %slice3A_40[0] : f32 from vector<1xf32>
    %slice3A_42 = vector.extract_strided_slice %get3A_15 {offsets = [13], sizes = [1], strides = [1]} : vector<16xf32> to vector<1xf32>
    %squeeze3A_43 = vector.extract %slice3A_42[0] : f32 from vector<1xf32>
    %slice3A_44 = vector.extract_strided_slice %get3A_15 {offsets = [14], sizes = [1], strides = [1]} : vector<16xf32> to vector<1xf32>
    %squeeze3A_45 = vector.extract %slice3A_44[0] : f32 from vector<1xf32>
    %slice3A_46 = vector.extract_strided_slice %get3A_15 {offsets = [15], sizes = [1], strides = [1]} : vector<16xf32> to vector<1xf32>
    %squeeze3A_47 = vector.extract %slice3A_46[0] : f32 from vector<1xf32>
    %slice3A_48 = vector.extract_strided_slice %get3A_17 {offsets = [0], sizes = [1], strides = [1]} : vector<16xf32> to vector<1xf32>
    %squeeze3A_49 = vector.extract %slice3A_48[0] : f32 from vector<1xf32>
    %slice3A_50 = vector.extract_strided_slice %get3A_17 {offsets = [1], sizes = [1], strides = [1]} : vector<16xf32> to vector<1xf32>
    %squeeze3A_51 = vector.extract %slice3A_50[0] : f32 from vector<1xf32>
    %slice3A_52 = vector.extract_strided_slice %get3A_17 {offsets = [2], sizes = [1], strides = [1]} : vector<16xf32> to vector<1xf32>
    %squeeze3A_53 = vector.extract %slice3A_52[0] : f32 from vector<1xf32>
    %slice3A_54 = vector.extract_strided_slice %get3A_17 {offsets = [3], sizes = [1], strides = [1]} : vector<16xf32> to vector<1xf32>
    %squeeze3A_55 = vector.extract %slice3A_54[0] : f32 from vector<1xf32>
    %slice3A_56 = vector.extract_strided_slice %get3A_17 {offsets = [4], sizes = [1], strides = [1]} : vector<16xf32> to vector<1xf32>
    %squeeze3A_57 = vector.extract %slice3A_56[0] : f32 from vector<1xf32>
    %slice3A_58 = vector.extract_strided_slice %get3A_17 {offsets = [5], sizes = [1], strides = [1]} : vector<16xf32> to vector<1xf32>
    %squeeze3A_59 = vector.extract %slice3A_58[0] : f32 from vector<1xf32>
    %slice3A_60 = vector.extract_strided_slice %get3A_17 {offsets = [6], sizes = [1], strides = [1]} : vector<16xf32> to vector<1xf32>
    %squeeze3A_61 = vector.extract %slice3A_60[0] : f32 from vector<1xf32>
    %slice3A_62 = vector.extract_strided_slice %get3A_17 {offsets = [7], sizes = [1], strides = [1]} : vector<16xf32> to vector<1xf32>
    %squeeze3A_63 = vector.extract %slice3A_62[0] : f32 from vector<1xf32>
    %slice3A_64 = vector.extract_strided_slice %get3A_17 {offsets = [8], sizes = [1], strides = [1]} : vector<16xf32> to vector<1xf32>
    %squeeze3A_65 = vector.extract %slice3A_64[0] : f32 from vector<1xf32>
    %slice3A_66 = vector.extract_strided_slice %get3A_17 {offsets = [9], sizes = [1], strides = [1]} : vector<16xf32> to vector<1xf32>
    %squeeze3A_67 = vector.extract %slice3A_66[0] : f32 from vector<1xf32>
    %slice3A_68 = vector.extract_strided_slice %get3A_17 {offsets = [10], sizes = [1], strides = [1]} : vector<16xf32> to vector<1xf32>
    %squeeze3A_69 = vector.extract %slice3A_68[0] : f32 from vector<1xf32>
    %slice3A_70 = vector.extract_strided_slice %get3A_17 {offsets = [11], sizes = [1], strides = [1]} : vector<16xf32> to vector<1xf32>
    %squeeze3A_71 = vector.extract %slice3A_70[0] : f32 from vector<1xf32>
    %slice3A_72 = vector.extract_strided_slice %get3A_17 {offsets = [12], sizes = [1], strides = [1]} : vector<16xf32> to vector<1xf32>
    %squeeze3A_73 = vector.extract %slice3A_72[0] : f32 from vector<1xf32>
    %slice3A_74 = vector.extract_strided_slice %get3A_17 {offsets = [13], sizes = [1], strides = [1]} : vector<16xf32> to vector<1xf32>
    %squeeze3A_75 = vector.extract %slice3A_74[0] : f32 from vector<1xf32>
    %slice3A_76 = vector.extract_strided_slice %get3A_17 {offsets = [14], sizes = [1], strides = [1]} : vector<16xf32> to vector<1xf32>
    %squeeze3A_77 = vector.extract %slice3A_76[0] : f32 from vector<1xf32>
    %slice3A_78 = vector.extract_strided_slice %get3A_17 {offsets = [15], sizes = [1], strides = [1]} : vector<16xf32> to vector<1xf32>
    %squeeze3A_79 = vector.extract %slice3A_78[0] : f32 from vector<1xf32>
    %scan3A = arith.constant 0 : i32
    %scan3A_80 = arith.constant 0 : i32
    %scan3A_81 = arith.constant 32 : i32
    %scan3A_82 = arith.addi %scan3A_80, %scan3A_81 : i32
    %scan3A_83 = arith.constant 1 : i32
    scf.for %scan3A_85 = %scan3A_80 to %scan3A_82 step %scan3A_83  : i32 {
      %mul3A_86 = arith.constant 16 : i32
      %mul3A_87 = arith.muli %scan3A_85, %mul3A_86 : i32
      %add3A_88 = vector.broadcast %mul3A_87 : i32 to vector<16xi32>
      %add3A_89 = arith.addi %add3A_88, %iota3A : vector<16xi32>
      %broadcast_in_dim3A = arith.constant 0.000000e+00 : f32
      %broadcast_in_dim3A_90 = vector.broadcast %broadcast_in_dim3A : f32 to vector<16xf32>
      %broadcast_in_dim3A_91 = arith.constant 0 : i32
      %broadcast_in_dim3A_92 = vector.broadcast %broadcast_in_dim3A_91 : i32 to vector<16xi32>
      %gather3A = tpu.vector_load_idx %arg8[%add3A_89, %broadcast_in_dim3A_92] : memref<512x32xf32, #tpu.memory_space<vmem>>[vector<16xi32>, vector<16xi32>], vector<16xf32>,
      %gather3A_93 = tpu.vector_load_idx %arg9[%add3A_89, %broadcast_in_dim3A_92] : memref<512x32xf32, #tpu.memory_space<vmem>>[vector<16xi32>, vector<16xi32>], vector<16xf32>,
      %mul3A_94 = arith.mulf %gather3A, %gather3A_93 : vector<16xf32>
      %mul3A_95 = vector.broadcast %squeeze3A : f32 to vector<16xf32>
      %mul3A_96 = arith.mulf %mul3A_94, %mul3A_95 : vector<16xf32>
      %add3A_97 = arith.addf %broadcast_in_dim3A_90, %mul3A_96 : vector<16xf32>
      %broadcast_in_dim3A_98 = arith.constant 1 : i32
      %broadcast_in_dim3A_99 = vector.broadcast %broadcast_in_dim3A_98 : i32 to vector<16xi32>
      %gather3A_100 = tpu.vector_load_idx %arg8[%add3A_89, %broadcast_in_dim3A_99] : memref<512x32xf32, #tpu.memory_space<vmem>>[vector<16xi32>, vector<16xi32>], vector<16xf32>,
      %gather3A_101 = tpu.vector_load_idx %arg9[%add3A_89, %broadcast_in_dim3A_99] : memref<512x32xf32, #tpu.memory_space<vmem>>[vector<16xi32>, vector<16xi32>], vector<16xf32>,
      %mul3A_102 = arith.mulf %gather3A_100, %gather3A_101 : vector<16xf32>
      %mul3A_103 = vector.broadcast %squeeze3A_19 : f32 to vector<16xf32>
      %mul3A_104 = arith.mulf %mul3A_102, %mul3A_103 : vector<16xf32>
      %add3A_105 = arith.addf %add3A_97, %mul3A_104 : vector<16xf32>
      %broadcast_in_dim3A_106 = arith.constant 2 : i32
      %broadcast_in_dim3A_107 = vector.broadcast %broadcast_in_dim3A_106 : i32 to vector<16xi32>
      %gather3A_108 = tpu.vector_load_idx %arg8[%add3A_89, %broadcast_in_dim3A_107] : memref<512x32xf32, #tpu.memory_space<vmem>>[vector<16xi32>, vector<16xi32>], vector<16xf32>,
      %gather3A_109 = tpu.vector_load_idx %arg9[%add3A_89, %broadcast_in_dim3A_107] : memref<512x32xf32, #tpu.memory_space<vmem>>[vector<16xi32>, vector<16xi32>], vector<16xf32>,
      %mul3A_110 = arith.mulf %gather3A_108, %gather3A_109 : vector<16xf32>
      %mul3A_111 = vector.broadcast %squeeze3A_21 : f32 to vector<16xf32>
      %mul3A_112 = arith.mulf %mul3A_110, %mul3A_111 : vector<16xf32>
      %add3A_113 = arith.addf %add3A_105, %mul3A_112 : vector<16xf32>
      %broadcast_in_dim3A_114 = arith.constant 3 : i32
      %broadcast_in_dim3A_115 = vector.broadcast %broadcast_in_dim3A_114 : i32 to vector<16xi32>
      %gather3A_116 = tpu.vector_load_idx %arg8[%add3A_89, %broadcast_in_dim3A_115] : memref<512x32xf32, #tpu.memory_space<vmem>>[vector<16xi32>, vector<16xi32>], vector<16xf32>,
      %gather3A_117 = tpu.vector_load_idx %arg9[%add3A_89, %broadcast_in_dim3A_115] : memref<512x32xf32, #tpu.memory_space<vmem>>[vector<16xi32>, vector<16xi32>], vector<16xf32>,
      %mul3A_118 = arith.mulf %gather3A_116, %gather3A_117 : vector<16xf32>
      %mul3A_119 = vector.broadcast %squeeze3A_23 : f32 to vector<16xf32>
      %mul3A_120 = arith.mulf %mul3A_118, %mul3A_119 : vector<16xf32>
      %add3A_121 = arith.addf %add3A_113, %mul3A_120 : vector<16xf32>
      %broadcast_in_dim3A_122 = arith.constant 4 : i32
      %broadcast_in_dim3A_123 = vector.broadcast %broadcast_in_dim3A_122 : i32 to vector<16xi32>
      %gather3A_124 = tpu.vector_load_idx %arg8[%add3A_89, %broadcast_in_dim3A_123] : memref<512x32xf32, #tpu.memory_space<vmem>>[vector<16xi32>, vector<16xi32>], vector<16xf32>,
      %gather3A_125 = tpu.vector_load_idx %arg9[%add3A_89, %broadcast_in_dim3A_123] : memref<512x32xf32, #tpu.memory_space<vmem>>[vector<16xi32>, vector<16xi32>], vector<16xf32>,
      %mul3A_126 = arith.mulf %gather3A_124, %gather3A_125 : vector<16xf32>
      %mul3A_127 = vector.broadcast %squeeze3A_25 : f32 to vector<16xf32>
      %mul3A_128 = arith.mulf %mul3A_126, %mul3A_127 : vector<16xf32>
      %add3A_129 = arith.addf %add3A_121, %mul3A_128 : vector<16xf32>
      %broadcast_in_dim3A_130 = arith.constant 5 : i32
      %broadcast_in_dim3A_131 = vector.broadcast %broadcast_in_dim3A_130 : i32 to vector<16xi32>
      %gather3A_132 = tpu.vector_load_idx %arg8[%add3A_89, %broadcast_in_dim3A_131] : memref<512x32xf32, #tpu.memory_space<vmem>>[vector<16xi32>, vector<16xi32>], vector<16xf32>,
      %gather3A_133 = tpu.vector_load_idx %arg9[%add3A_89, %broadcast_in_dim3A_131] : memref<512x32xf32, #tpu.memory_space<vmem>>[vector<16xi32>, vector<16xi32>], vector<16xf32>,
      %mul3A_134 = arith.mulf %gather3A_132, %gather3A_133 : vector<16xf32>
      %mul3A_135 = vector.broadcast %squeeze3A_27 : f32 to vector<16xf32>
      %mul3A_136 = arith.mulf %mul3A_134, %mul3A_135 : vector<16xf32>
      %add3A_137 = arith.addf %add3A_129, %mul3A_136 : vector<16xf32>
      %broadcast_in_dim3A_138 = arith.constant 6 : i32
      %broadcast_in_dim3A_139 = vector.broadcast %broadcast_in_dim3A_138 : i32 to vector<16xi32>
      %gather3A_140 = tpu.vector_load_idx %arg8[%add3A_89, %broadcast_in_dim3A_139] : memref<512x32xf32, #tpu.memory_space<vmem>>[vector<16xi32>, vector<16xi32>], vector<16xf32>,
      %gather3A_141 = tpu.vector_load_idx %arg9[%add3A_89, %broadcast_in_dim3A_139] : memref<512x32xf32, #tpu.memory_space<vmem>>[vector<16xi32>, vector<16xi32>], vector<16xf32>,
      %mul3A_142 = arith.mulf %gather3A_140, %gather3A_141 : vector<16xf32>
      %mul3A_143 = vector.broadcast %squeeze3A_29 : f32 to vector<16xf32>
      %mul3A_144 = arith.mulf %mul3A_142, %mul3A_143 : vector<16xf32>
      %add3A_145 = arith.addf %add3A_137, %mul3A_144 : vector<16xf32>
      %broadcast_in_dim3A_146 = arith.constant 7 : i32
      %broadcast_in_dim3A_147 = vector.broadcast %broadcast_in_dim3A_146 : i32 to vector<16xi32>
      %gather3A_148 = tpu.vector_load_idx %arg8[%add3A_89, %broadcast_in_dim3A_147] : memref<512x32xf32, #tpu.memory_space<vmem>>[vector<16xi32>, vector<16xi32>], vector<16xf32>,
      %gather3A_149 = tpu.vector_load_idx %arg9[%add3A_89, %broadcast_in_dim3A_147] : memref<512x32xf32, #tpu.memory_space<vmem>>[vector<16xi32>, vector<16xi32>], vector<16xf32>,
      %mul3A_150 = arith.mulf %gather3A_148, %gather3A_149 : vector<16xf32>
      %mul3A_151 = vector.broadcast %squeeze3A_31 : f32 to vector<16xf32>
      %mul3A_152 = arith.mulf %mul3A_150, %mul3A_151 : vector<16xf32>
      %add3A_153 = arith.addf %add3A_145, %mul3A_152 : vector<16xf32>
      %broadcast_in_dim3A_154 = arith.constant 8 : i32
      %broadcast_in_dim3A_155 = vector.broadcast %broadcast_in_dim3A_154 : i32 to vector<16xi32>
      %gather3A_156 = tpu.vector_load_idx %arg8[%add3A_89, %broadcast_in_dim3A_155] : memref<512x32xf32, #tpu.memory_space<vmem>>[vector<16xi32>, vector<16xi32>], vector<16xf32>,
      %gather3A_157 = tpu.vector_load_idx %arg9[%add3A_89, %broadcast_in_dim3A_155] : memref<512x32xf32, #tpu.memory_space<vmem>>[vector<16xi32>, vector<16xi32>], vector<16xf32>,
      %mul3A_158 = arith.mulf %gather3A_156, %gather3A_157 : vector<16xf32>
      %mul3A_159 = vector.broadcast %squeeze3A_33 : f32 to vector<16xf32>
      %mul3A_160 = arith.mulf %mul3A_158, %mul3A_159 : vector<16xf32>
      %add3A_161 = arith.addf %add3A_153, %mul3A_160 : vector<16xf32>
      %broadcast_in_dim3A_162 = arith.constant 9 : i32
      %broadcast_in_dim3A_163 = vector.broadcast %broadcast_in_dim3A_162 : i32 to vector<16xi32>
      %gather3A_164 = tpu.vector_load_idx %arg8[%add3A_89, %broadcast_in_dim3A_163] : memref<512x32xf32, #tpu.memory_space<vmem>>[vector<16xi32>, vector<16xi32>], vector<16xf32>,
      %gather3A_165 = tpu.vector_load_idx %arg9[%add3A_89, %broadcast_in_dim3A_163] : memref<512x32xf32, #tpu.memory_space<vmem>>[vector<16xi32>, vector<16xi32>], vector<16xf32>,
      %mul3A_166 = arith.mulf %gather3A_164, %gather3A_165 : vector<16xf32>
      %mul3A_167 = vector.broadcast %squeeze3A_35 : f32 to vector<16xf32>
      %mul3A_168 = arith.mulf %mul3A_166, %mul3A_167 : vector<16xf32>
      %add3A_169 = arith.addf %add3A_161, %mul3A_168 : vector<16xf32>
      %broadcast_in_dim3A_170 = arith.constant 10 : i32
      %broadcast_in_dim3A_171 = vector.broadcast %broadcast_in_dim3A_170 : i32 to vector<16xi32>
      %gather3A_172 = tpu.vector_load_idx %arg8[%add3A_89, %broadcast_in_dim3A_171] : memref<512x32xf32, #tpu.memory_space<vmem>>[vector<16xi32>, vector<16xi32>], vector<16xf32>,
      %gather3A_173 = tpu.vector_load_idx %arg9[%add3A_89, %broadcast_in_dim3A_171] : memref<512x32xf32, #tpu.memory_space<vmem>>[vector<16xi32>, vector<16xi32>], vector<16xf32>,
      %mul3A_174 = arith.mulf %gather3A_172, %gather3A_173 : vector<16xf32>
      %mul3A_175 = vector.broadcast %squeeze3A_37 : f32 to vector<16xf32>
      %mul3A_176 = arith.mulf %mul3A_174, %mul3A_175 : vector<16xf32>
      %add3A_177 = arith.addf %add3A_169, %mul3A_176 : vector<16xf32>
      %broadcast_in_dim3A_178 = arith.constant 11 : i32
      %broadcast_in_dim3A_179 = vector.broadcast %broadcast_in_dim3A_178 : i32 to vector<16xi32>
      %gather3A_180 = tpu.vector_load_idx %arg8[%add3A_89, %broadcast_in_dim3A_179] : memref<512x32xf32, #tpu.memory_space<vmem>>[vector<16xi32>, vector<16xi32>], vector<16xf32>,
      %gather3A_181 = tpu.vector_load_idx %arg9[%add3A_89, %broadcast_in_dim3A_179] : memref<512x32xf32, #tpu.memory_space<vmem>>[vector<16xi32>, vector<16xi32>], vector<16xf32>,
      %mul3A_182 = arith.mulf %gather3A_180, %gather3A_181 : vector<16xf32>
      %mul3A_183 = vector.broadcast %squeeze3A_39 : f32 to vector<16xf32>
      %mul3A_184 = arith.mulf %mul3A_182, %mul3A_183 : vector<16xf32>
      %add3A_185 = arith.addf %add3A_177, %mul3A_184 : vector<16xf32>
      %broadcast_in_dim3A_186 = arith.constant 12 : i32
      %broadcast_in_dim3A_187 = vector.broadcast %broadcast_in_dim3A_186 : i32 to vector<16xi32>
      %gather3A_188 = tpu.vector_load_idx %arg8[%add3A_89, %broadcast_in_dim3A_187] : memref<512x32xf32, #tpu.memory_space<vmem>>[vector<16xi32>, vector<16xi32>], vector<16xf32>,
      %gather3A_189 = tpu.vector_load_idx %arg9[%add3A_89, %broadcast_in_dim3A_187] : memref<512x32xf32, #tpu.memory_space<vmem>>[vector<16xi32>, vector<16xi32>], vector<16xf32>,
      %mul3A_190 = arith.mulf %gather3A_188, %gather3A_189 : vector<16xf32>
      %mul3A_191 = vector.broadcast %squeeze3A_41 : f32 to vector<16xf32>
      %mul3A_192 = arith.mulf %mul3A_190, %mul3A_191 : vector<16xf32>
      %add3A_193 = arith.addf %add3A_185, %mul3A_192 : vector<16xf32>
      %broadcast_in_dim3A_194 = arith.constant 13 : i32
      %broadcast_in_dim3A_195 = vector.broadcast %broadcast_in_dim3A_194 : i32 to vector<16xi32>
      %gather3A_196 = tpu.vector_load_idx %arg8[%add3A_89, %broadcast_in_dim3A_195] : memref<512x32xf32, #tpu.memory_space<vmem>>[vector<16xi32>, vector<16xi32>], vector<16xf32>,
      %gather3A_197 = tpu.vector_load_idx %arg9[%add3A_89, %broadcast_in_dim3A_195] : memref<512x32xf32, #tpu.memory_space<vmem>>[vector<16xi32>, vector<16xi32>], vector<16xf32>,
      %mul3A_198 = arith.mulf %gather3A_196, %gather3A_197 : vector<16xf32>
      %mul3A_199 = vector.broadcast %squeeze3A_43 : f32 to vector<16xf32>
      %mul3A_200 = arith.mulf %mul3A_198, %mul3A_199 : vector<16xf32>
      %add3A_201 = arith.addf %add3A_193, %mul3A_200 : vector<16xf32>
      %broadcast_in_dim3A_202 = arith.constant 14 : i32
      %broadcast_in_dim3A_203 = vector.broadcast %broadcast_in_dim3A_202 : i32 to vector<16xi32>
      %gather3A_204 = tpu.vector_load_idx %arg8[%add3A_89, %broadcast_in_dim3A_203] : memref<512x32xf32, #tpu.memory_space<vmem>>[vector<16xi32>, vector<16xi32>], vector<16xf32>,
      %gather3A_205 = tpu.vector_load_idx %arg9[%add3A_89, %broadcast_in_dim3A_203] : memref<512x32xf32, #tpu.memory_space<vmem>>[vector<16xi32>, vector<16xi32>], vector<16xf32>,
      %mul3A_206 = arith.mulf %gather3A_204, %gather3A_205 : vector<16xf32>
      %mul3A_207 = vector.broadcast %squeeze3A_45 : f32 to vector<16xf32>
      %mul3A_208 = arith.mulf %mul3A_206, %mul3A_207 : vector<16xf32>
      %add3A_209 = arith.addf %add3A_201, %mul3A_208 : vector<16xf32>
      %broadcast_in_dim3A_210 = arith.constant 15 : i32
      %broadcast_in_dim3A_211 = vector.broadcast %broadcast_in_dim3A_210 : i32 to vector<16xi32>
      %gather3A_212 = tpu.vector_load_idx %arg8[%add3A_89, %broadcast_in_dim3A_211] : memref<512x32xf32, #tpu.memory_space<vmem>>[vector<16xi32>, vector<16xi32>], vector<16xf32>,
      %gather3A_213 = tpu.vector_load_idx %arg9[%add3A_89, %broadcast_in_dim3A_211] : memref<512x32xf32, #tpu.memory_space<vmem>>[vector<16xi32>, vector<16xi32>], vector<16xf32>,
      %mul3A_214 = arith.mulf %gather3A_212, %gather3A_213 : vector<16xf32>
      %mul3A_215 = vector.broadcast %squeeze3A_47 : f32 to vector<16xf32>
      %mul3A_216 = arith.mulf %mul3A_214, %mul3A_215 : vector<16xf32>
      %add3A_217 = arith.addf %add3A_209, %mul3A_216 : vector<16xf32>
      %broadcast_in_dim3A_218 = arith.constant 16 : i32
      %broadcast_in_dim3A_219 = vector.broadcast %broadcast_in_dim3A_218 : i32 to vector<16xi32>
      %gather3A_220 = tpu.vector_load_idx %arg8[%add3A_89, %broadcast_in_dim3A_219] : memref<512x32xf32, #tpu.memory_space<vmem>>[vector<16xi32>, vector<16xi32>], vector<16xf32>,
      %gather3A_221 = tpu.vector_load_idx %arg9[%add3A_89, %broadcast_in_dim3A_219] : memref<512x32xf32, #tpu.memory_space<vmem>>[vector<16xi32>, vector<16xi32>], vector<16xf32>,
      %mul3A_222 = arith.mulf %gather3A_220, %gather3A_221 : vector<16xf32>
      %mul3A_223 = vector.broadcast %squeeze3A_49 : f32 to vector<16xf32>
      %mul3A_224 = arith.mulf %mul3A_222, %mul3A_223 : vector<16xf32>
      %add3A_225 = arith.addf %add3A_217, %mul3A_224 : vector<16xf32>
      %broadcast_in_dim3A_226 = arith.constant 17 : i32
      %broadcast_in_dim3A_227 = vector.broadcast %broadcast_in_dim3A_226 : i32 to vector<16xi32>
      %gather3A_228 = tpu.vector_load_idx %arg8[%add3A_89, %broadcast_in_dim3A_227] : memref<512x32xf32, #tpu.memory_space<vmem>>[vector<16xi32>, vector<16xi32>], vector<16xf32>,
      %gather3A_229 = tpu.vector_load_idx %arg9[%add3A_89, %broadcast_in_dim3A_227] : memref<512x32xf32, #tpu.memory_space<vmem>>[vector<16xi32>, vector<16xi32>], vector<16xf32>,
      %mul3A_230 = arith.mulf %gather3A_228, %gather3A_229 : vector<16xf32>
      %mul3A_231 = vector.broadcast %squeeze3A_51 : f32 to vector<16xf32>
      %mul3A_232 = arith.mulf %mul3A_230, %mul3A_231 : vector<16xf32>
      %add3A_233 = arith.addf %add3A_225, %mul3A_232 : vector<16xf32>
      %broadcast_in_dim3A_234 = arith.constant 18 : i32
      %broadcast_in_dim3A_235 = vector.broadcast %broadcast_in_dim3A_234 : i32 to vector<16xi32>
      %gather3A_236 = tpu.vector_load_idx %arg8[%add3A_89, %broadcast_in_dim3A_235] : memref<512x32xf32, #tpu.memory_space<vmem>>[vector<16xi32>, vector<16xi32>], vector<16xf32>,
      %gather3A_237 = tpu.vector_load_idx %arg9[%add3A_89, %broadcast_in_dim3A_235] : memref<512x32xf32, #tpu.memory_space<vmem>>[vector<16xi32>, vector<16xi32>], vector<16xf32>,
      %mul3A_238 = arith.mulf %gather3A_236, %gather3A_237 : vector<16xf32>
      %mul3A_239 = vector.broadcast %squeeze3A_53 : f32 to vector<16xf32>
      %mul3A_240 = arith.mulf %mul3A_238, %mul3A_239 : vector<16xf32>
      %add3A_241 = arith.addf %add3A_233, %mul3A_240 : vector<16xf32>
      %broadcast_in_dim3A_242 = arith.constant 19 : i32
      %broadcast_in_dim3A_243 = vector.broadcast %broadcast_in_dim3A_242 : i32 to vector<16xi32>
      %gather3A_244 = tpu.vector_load_idx %arg8[%add3A_89, %broadcast_in_dim3A_243] : memref<512x32xf32, #tpu.memory_space<vmem>>[vector<16xi32>, vector<16xi32>], vector<16xf32>,
      %gather3A_245 = tpu.vector_load_idx %arg9[%add3A_89, %broadcast_in_dim3A_243] : memref<512x32xf32, #tpu.memory_space<vmem>>[vector<16xi32>, vector<16xi32>], vector<16xf32>,
      %mul3A_246 = arith.mulf %gather3A_244, %gather3A_245 : vector<16xf32>
      %mul3A_247 = vector.broadcast %squeeze3A_55 : f32 to vector<16xf32>
      %mul3A_248 = arith.mulf %mul3A_246, %mul3A_247 : vector<16xf32>
      %add3A_249 = arith.addf %add3A_241, %mul3A_248 : vector<16xf32>
      %broadcast_in_dim3A_250 = arith.constant 20 : i32
      %broadcast_in_dim3A_251 = vector.broadcast %broadcast_in_dim3A_250 : i32 to vector<16xi32>
      %gather3A_252 = tpu.vector_load_idx %arg8[%add3A_89, %broadcast_in_dim3A_251] : memref<512x32xf32, #tpu.memory_space<vmem>>[vector<16xi32>, vector<16xi32>], vector<16xf32>,
      %gather3A_253 = tpu.vector_load_idx %arg9[%add3A_89, %broadcast_in_dim3A_251] : memref<512x32xf32, #tpu.memory_space<vmem>>[vector<16xi32>, vector<16xi32>], vector<16xf32>,
      %mul3A_254 = arith.mulf %gather3A_252, %gather3A_253 : vector<16xf32>
      %mul3A_255 = vector.broadcast %squeeze3A_57 : f32 to vector<16xf32>
      %mul3A_256 = arith.mulf %mul3A_254, %mul3A_255 : vector<16xf32>
      %add3A_257 = arith.addf %add3A_249, %mul3A_256 : vector<16xf32>
      %broadcast_in_dim3A_258 = arith.constant 21 : i32
      %broadcast_in_dim3A_259 = vector.broadcast %broadcast_in_dim3A_258 : i32 to vector<16xi32>
      %gather3A_260 = tpu.vector_load_idx %arg8[%add3A_89, %broadcast_in_dim3A_259] : memref<512x32xf32, #tpu.memory_space<vmem>>[vector<16xi32>, vector<16xi32>], vector<16xf32>,
      %gather3A_261 = tpu.vector_load_idx %arg9[%add3A_89, %broadcast_in_dim3A_259] : memref<512x32xf32, #tpu.memory_space<vmem>>[vector<16xi32>, vector<16xi32>], vector<16xf32>,
      %mul3A_262 = arith.mulf %gather3A_260, %gather3A_261 : vector<16xf32>
      %mul3A_263 = vector.broadcast %squeeze3A_59 : f32 to vector<16xf32>
      %mul3A_264 = arith.mulf %mul3A_262, %mul3A_263 : vector<16xf32>
      %add3A_265 = arith.addf %add3A_257, %mul3A_264 : vector<16xf32>
      %broadcast_in_dim3A_266 = arith.constant 22 : i32
      %broadcast_in_dim3A_267 = vector.broadcast %broadcast_in_dim3A_266 : i32 to vector<16xi32>
      %gather3A_268 = tpu.vector_load_idx %arg8[%add3A_89, %broadcast_in_dim3A_267] : memref<512x32xf32, #tpu.memory_space<vmem>>[vector<16xi32>, vector<16xi32>], vector<16xf32>,
      %gather3A_269 = tpu.vector_load_idx %arg9[%add3A_89, %broadcast_in_dim3A_267] : memref<512x32xf32, #tpu.memory_space<vmem>>[vector<16xi32>, vector<16xi32>], vector<16xf32>,
      %mul3A_270 = arith.mulf %gather3A_268, %gather3A_269 : vector<16xf32>
      %mul3A_271 = vector.broadcast %squeeze3A_61 : f32 to vector<16xf32>
      %mul3A_272 = arith.mulf %mul3A_270, %mul3A_271 : vector<16xf32>
      %add3A_273 = arith.addf %add3A_265, %mul3A_272 : vector<16xf32>
      %broadcast_in_dim3A_274 = arith.constant 23 : i32
      %broadcast_in_dim3A_275 = vector.broadcast %broadcast_in_dim3A_274 : i32 to vector<16xi32>
      %gather3A_276 = tpu.vector_load_idx %arg8[%add3A_89, %broadcast_in_dim3A_275] : memref<512x32xf32, #tpu.memory_space<vmem>>[vector<16xi32>, vector<16xi32>], vector<16xf32>,
      %gather3A_277 = tpu.vector_load_idx %arg9[%add3A_89, %broadcast_in_dim3A_275] : memref<512x32xf32, #tpu.memory_space<vmem>>[vector<16xi32>, vector<16xi32>], vector<16xf32>,
      %mul3A_278 = arith.mulf %gather3A_276, %gather3A_277 : vector<16xf32>
      %mul3A_279 = vector.broadcast %squeeze3A_63 : f32 to vector<16xf32>
      %mul3A_280 = arith.mulf %mul3A_278, %mul3A_279 : vector<16xf32>
      %add3A_281 = arith.addf %add3A_273, %mul3A_280 : vector<16xf32>
      %broadcast_in_dim3A_282 = arith.constant 24 : i32
      %broadcast_in_dim3A_283 = vector.broadcast %broadcast_in_dim3A_282 : i32 to vector<16xi32>
      %gather3A_284 = tpu.vector_load_idx %arg8[%add3A_89, %broadcast_in_dim3A_283] : memref<512x32xf32, #tpu.memory_space<vmem>>[vector<16xi32>, vector<16xi32>], vector<16xf32>,
      %gather3A_285 = tpu.vector_load_idx %arg9[%add3A_89, %broadcast_in_dim3A_283] : memref<512x32xf32, #tpu.memory_space<vmem>>[vector<16xi32>, vector<16xi32>], vector<16xf32>,
      %mul3A_286 = arith.mulf %gather3A_284, %gather3A_285 : vector<16xf32>
      %mul3A_287 = vector.broadcast %squeeze3A_65 : f32 to vector<16xf32>
      %mul3A_288 = arith.mulf %mul3A_286, %mul3A_287 : vector<16xf32>
      %add3A_289 = arith.addf %add3A_281, %mul3A_288 : vector<16xf32>
      %broadcast_in_dim3A_290 = arith.constant 25 : i32
      %broadcast_in_dim3A_291 = vector.broadcast %broadcast_in_dim3A_290 : i32 to vector<16xi32>
      %gather3A_292 = tpu.vector_load_idx %arg8[%add3A_89, %broadcast_in_dim3A_291] : memref<512x32xf32, #tpu.memory_space<vmem>>[vector<16xi32>, vector<16xi32>], vector<16xf32>,
      %gather3A_293 = tpu.vector_load_idx %arg9[%add3A_89, %broadcast_in_dim3A_291] : memref<512x32xf32, #tpu.memory_space<vmem>>[vector<16xi32>, vector<16xi32>], vector<16xf32>,
      %mul3A_294 = arith.mulf %gather3A_292, %gather3A_293 : vector<16xf32>
      %mul3A_295 = vector.broadcast %squeeze3A_67 : f32 to vector<16xf32>
      %mul3A_296 = arith.mulf %mul3A_294, %mul3A_295 : vector<16xf32>
      %add3A_297 = arith.addf %add3A_289, %mul3A_296 : vector<16xf32>
      %broadcast_in_dim3A_298 = arith.constant 26 : i32
      %broadcast_in_dim3A_299 = vector.broadcast %broadcast_in_dim3A_298 : i32 to vector<16xi32>
      %gather3A_300 = tpu.vector_load_idx %arg8[%add3A_89, %broadcast_in_dim3A_299] : memref<512x32xf32, #tpu.memory_space<vmem>>[vector<16xi32>, vector<16xi32>], vector<16xf32>,
      %gather3A_301 = tpu.vector_load_idx %arg9[%add3A_89, %broadcast_in_dim3A_299] : memref<512x32xf32, #tpu.memory_space<vmem>>[vector<16xi32>, vector<16xi32>], vector<16xf32>,
      %mul3A_302 = arith.mulf %gather3A_300, %gather3A_301 : vector<16xf32>
      %mul3A_303 = vector.broadcast %squeeze3A_69 : f32 to vector<16xf32>
      %mul3A_304 = arith.mulf %mul3A_302, %mul3A_303 : vector<16xf32>
      %add3A_305 = arith.addf %add3A_297, %mul3A_304 : vector<16xf32>
      %broadcast_in_dim3A_306 = arith.constant 27 : i32
      %broadcast_in_dim3A_307 = vector.broadcast %broadcast_in_dim3A_306 : i32 to vector<16xi32>
      %gather3A_308 = tpu.vector_load_idx %arg8[%add3A_89, %broadcast_in_dim3A_307] : memref<512x32xf32, #tpu.memory_space<vmem>>[vector<16xi32>, vector<16xi32>], vector<16xf32>,
      %gather3A_309 = tpu.vector_load_idx %arg9[%add3A_89, %broadcast_in_dim3A_307] : memref<512x32xf32, #tpu.memory_space<vmem>>[vector<16xi32>, vector<16xi32>], vector<16xf32>,
      %mul3A_310 = arith.mulf %gather3A_308, %gather3A_309 : vector<16xf32>
      %mul3A_311 = vector.broadcast %squeeze3A_71 : f32 to vector<16xf32>
      %mul3A_312 = arith.mulf %mul3A_310, %mul3A_311 : vector<16xf32>
      %add3A_313 = arith.addf %add3A_305, %mul3A_312 : vector<16xf32>
      %broadcast_in_dim3A_314 = arith.constant 28 : i32
      %broadcast_in_dim3A_315 = vector.broadcast %broadcast_in_dim3A_314 : i32 to vector<16xi32>
      %gather3A_316 = tpu.vector_load_idx %arg8[%add3A_89, %broadcast_in_dim3A_315] : memref<512x32xf32, #tpu.memory_space<vmem>>[vector<16xi32>, vector<16xi32>], vector<16xf32>,
      %gather3A_317 = tpu.vector_load_idx %arg9[%add3A_89, %broadcast_in_dim3A_315] : memref<512x32xf32, #tpu.memory_space<vmem>>[vector<16xi32>, vector<16xi32>], vector<16xf32>,
      %mul3A_318 = arith.mulf %gather3A_316, %gather3A_317 : vector<16xf32>
      %mul3A_319 = vector.broadcast %squeeze3A_73 : f32 to vector<16xf32>
      %mul3A_320 = arith.mulf %mul3A_318, %mul3A_319 : vector<16xf32>
      %add3A_321 = arith.addf %add3A_313, %mul3A_320 : vector<16xf32>
      %broadcast_in_dim3A_322 = arith.constant 29 : i32
      %broadcast_in_dim3A_323 = vector.broadcast %broadcast_in_dim3A_322 : i32 to vector<16xi32>
      %gather3A_324 = tpu.vector_load_idx %arg8[%add3A_89, %broadcast_in_dim3A_323] : memref<512x32xf32, #tpu.memory_space<vmem>>[vector<16xi32>, vector<16xi32>], vector<16xf32>,
      %gather3A_325 = tpu.vector_load_idx %arg9[%add3A_89, %broadcast_in_dim3A_323] : memref<512x32xf32, #tpu.memory_space<vmem>>[vector<16xi32>, vector<16xi32>], vector<16xf32>,
      %mul3A_326 = arith.mulf %gather3A_324, %gather3A_325 : vector<16xf32>
      %mul3A_327 = vector.broadcast %squeeze3A_75 : f32 to vector<16xf32>
      %mul3A_328 = arith.mulf %mul3A_326, %mul3A_327 : vector<16xf32>
      %add3A_329 = arith.addf %add3A_321, %mul3A_328 : vector<16xf32>
      %broadcast_in_dim3A_330 = arith.constant 30 : i32
      %broadcast_in_dim3A_331 = vector.broadcast %broadcast_in_dim3A_330 : i32 to vector<16xi32>
      %gather3A_332 = tpu.vector_load_idx %arg8[%add3A_89, %broadcast_in_dim3A_331] : memref<512x32xf32, #tpu.memory_space<vmem>>[vector<16xi32>, vector<16xi32>], vector<16xf32>,
      %gather3A_333 = tpu.vector_load_idx %arg9[%add3A_89, %broadcast_in_dim3A_331] : memref<512x32xf32, #tpu.memory_space<vmem>>[vector<16xi32>, vector<16xi32>], vector<16xf32>,
      %mul3A_334 = arith.mulf %gather3A_332, %gather3A_333 : vector<16xf32>
      %mul3A_335 = vector.broadcast %squeeze3A_77 : f32 to vector<16xf32>
      %mul3A_336 = arith.mulf %mul3A_334, %mul3A_335 : vector<16xf32>
      %add3A_337 = arith.addf %add3A_329, %mul3A_336 : vector<16xf32>
      %broadcast_in_dim3A_338 = arith.constant 31 : i32
      %broadcast_in_dim3A_339 = vector.broadcast %broadcast_in_dim3A_338 : i32 to vector<16xi32>
      %gather3A_340 = tpu.vector_load_idx %arg8[%add3A_89, %broadcast_in_dim3A_339] : memref<512x32xf32, #tpu.memory_space<vmem>>[vector<16xi32>, vector<16xi32>], vector<16xf32>,
      %gather3A_341 = tpu.vector_load_idx %arg9[%add3A_89, %broadcast_in_dim3A_339] : memref<512x32xf32, #tpu.memory_space<vmem>>[vector<16xi32>, vector<16xi32>], vector<16xf32>,
      %mul3A_342 = arith.mulf %gather3A_340, %gather3A_341 : vector<16xf32>
      %mul3A_343 = vector.broadcast %squeeze3A_79 : f32 to vector<16xf32>
      %mul3A_344 = arith.mulf %mul3A_342, %mul3A_343 : vector<16xf32>
      %add3A_345 = arith.addf %add3A_337, %mul3A_344 : vector<16xf32>
      %neg3A = arith.constant 0.000000e+00 : f32
      %neg3A_346 = vector.broadcast %neg3A : f32 to vector<16xf32>
      %neg3A_347 = arith.subf %neg3A_346, %add3A_345 : vector<16xf32>
      %exp3A = math.exp %neg3A_347 : vector<16xf32>
      %add3A_348 = arith.constant 1.000000e+00 : f32
      %add3A_349 = vector.broadcast %add3A_348 : f32 to vector<16xf32>
      %add3A_350 = arith.addf %add3A_349, %exp3A : vector<16xf32>
      %div3A = arith.constant 1.000000e+00 : f32
      %div3A_351 = vector.broadcast %div3A : f32 to vector<16xf32>
      %div3A_352 = arith.divf %div3A_351, %add3A_350 : vector<16xf32>
      %mul3A_353 = arith.constant 16 : i32
      %mul3A_354 = arith.muli %scan3A_85, %mul3A_353 : i32
      %swap3A = arith.index_cast %mul3A_354 : i32 to index
      %swap3A_355 = tpu.vector_load %arg11[%swap3A] {strides = array<i32>} : memref<512xf32, #tpu.memory_space<vmem>>, vector<16xf32>,
      tpu.vector_store %arg11[%swap3A], %div3A_352 {strides = array<i32>} : memref<512xf32, #tpu.memory_space<vmem>>, vector<16xf32>,
    }
    %scan3A_84 = arith.constant 32 : i32
    "tpu.region"() ({
      %run_scoped3A_85 = tpu.sem_alloc : memref<!tpu.dma_semaphore, #tpu.memory_space<semaphore_mem>>
      %dma_start3A_86 = tpu.memref_slice %arg5[%mul3A_2] : memref<16384xf32, #tpu.memory_space<hbm>> -> memref<512xf32, #tpu.memory_space<hbm>>
      %dma_start3A_87 = tpu.memref_slice %arg5[%mul3A_2] : memref<16384xf32, #tpu.memory_space<hbm>> -> memref<512xf32, #tpu.memory_space<hbm>>
      tpu.enqueue_dma source(%arg11 : memref<512xf32, #tpu.memory_space<vmem>>) target(%dma_start3A_87 : memref<512xf32, #tpu.memory_space<hbm>>) target_semaphore(%run_scoped3A_85 : memref<!tpu.dma_semaphore, #tpu.memory_space<semaphore_mem>>)
      %dma_wait3A_88 = tpu.memref_slice %arg5[%mul3A_2] : memref<16384xf32, #tpu.memory_space<hbm>> -> memref<512xf32, #tpu.memory_space<hbm>>
      %dma_wait3A_89 = tpu.memref_slice %arg5[%mul3A_2] : memref<16384xf32, #tpu.memory_space<hbm>> -> memref<512xf32, #tpu.memory_space<hbm>>
      tpu.wait_dma2 semaphore(%run_scoped3A_85 : memref<!tpu.dma_semaphore, #tpu.memory_space<semaphore_mem>>) src(%arg11 : memref<512xf32, #tpu.memory_space<vmem>>) dst(%dma_wait3A_89 : memref<512xf32, #tpu.memory_space<hbm>>)
      tpu.yield
    }) : () -> ()
    return
  }
}

</mosaic_0001>

<sc_bundles>
// kernel: kernel.3.cloned.1.call-start
scs
__scs_entry_jumppad:
0x0: {  	(pc) =	sbr.rel $0x88, $3  }
0x1: {  	(tag) =	ssettag $0x0;
	lr =	simm.s32 $0x1  }
0x2: {  	[smem:$0x3F9E] =	sst lr;
	_ =	strace $0xD0000000  }
0x3: {  	_ = 	snop  }
0x4: {  	_ = 	snop  }
0x5: {  	_ = 	snop  }
0x6: {  	_ = 	snop  }
0x7: {  	_ = 	snop  }
__scs_overlays_trampoline_lowered:
0x8: {  	[smem:$0x3FAD] =	sst s0  }
0x9: {  	[smem:$0x3FAE] =	sst s1  }
0xa: {  	[smem:$0x3FAF] =	sst s2  }
0xb: {  	[smem:$0x3FB0] =	sst s3  }
0xc: {  	[smem:$0x3FB1] =	sst s4  }
0xd: {  	[smem:$0x3FB2] =	sst s5  }
0xe: {  	[smem:$0x3FB3] =	sst s6  }
0xf: {  	[smem:$0x3FB4] =	sst s7  }
0x10: {  	[smem:$0x3FB5] =	sst s8  }
0x11: {  	[smem:$0x3FB6] =	sst s9;
	s0 =	simm.s32 @!p0 $0x0  }
0x12: {  	s1 =	sld [smem:$0x3F9C];
	s0 =	simm.s32 @p0 $0x1  }
0x13: {  	[smem:$0x3FB7] =	sst s0;
	s0 =	simm.s32 @!p1 $0x0  }
0x14: {  	s2 =	sld [smem:$0x3F9B];
	s0 =	simm.s32 @p1 $0x1  }
0x15: {  	[smem:$0x3FB8] =	sst s0;
	s0 =	simm.s32 @!p2 $0x0  }
0x16: {  	s3 =	sld [smem:$0x3FDB];
	s0 =	simm.s32 @p2 $0x1  }
0x17: {  	s4 =	simm.s32 $0x1BF5;
	[smem:$0x3FBA] =	sst s0  }
0x18: {  	s0 =	sld [smem:$0x3F9D];
	_ =	swait.ge [sflag:s4], $0x0  }
0x19: {  	s7 =	sld [smem:$0x3F9E]  }
0x1a: {  	s8 =	sadd.s32 $0xFFFFE003, lr  }
0x1b: {  	s9 =	sadd.s32 $0xFFFFFEF7, lr;
	s5 =	simm.s32 $0xFFFFFFFF;
	p2 =	slt.u32 s8, $0xFFFFF086  }
0x1c: {  	p1 =	slt.u32 s9, $0xF7A;
	s5 =	simm.s32 @!p2 $0x0  }
0x1d: {  	s5 =	simm.s32 @p1 $0x1;
	p0 =	seq.s32 s7, s2  }
0x1e: {  	s7 =	smul.u32 @!p0 $0xF7A, s2;
	p2 =	seq.s32 @!p0 s5, $0x0  }
0x1f: {  	s9 =	smul.u32 $0xF7A, s1;
	s8 =	simm.s32 @!p0 $0x1BF5;
	p2 =	por !p2, p0  }
0x20: {  	[sflag:s8] =	ssyncset.s32 @!p0 $0xFFFFF086;
	s6 =	sadd.s32 @!p0 s3, s7;
	s7 =	simm.s32 @!p0 $0x108  }
0x21: {  	s3 =	sadd.s32 s3, s9;
	s6 =	sadd.s32 @!p0 $0x88, s6;
	s7 =	simm.s32 @p2 $0x1082  }
0x22: {  	[simem:s7], [sflag:s8] =	dma.local @!p0 [hbm:s6], $0xF7A  }
0x23: {  	s9 =	sor.u32 $0xD0000000, s2;
	s6 =	simm.s32 $0x108;
	_ =	swait.ge @!p0 [sflag:s8], $0x0  }
0x24: {  	s3 =	sadd.s32 $0x88, s3;
	s6 =	simm.s32 @!p1 $0x1082;
	[sflag:s4] =	ssyncset.s32 $0xFFFFF086  }
0x25: {  	[simem:s6], [sflag:s4] =	dma.local [hbm:s3], $0xF7A  }
0x26: {  	[smem:$0x3F9E] =	sst s1;
	(tag) =	ssettag s2;
	_ =	strace s9  }
0x27: {  	s1 =	sld [smem:$0x3FAE]  }
0x28: {  	s2 =	sld [smem:$0x3FAF]  }
0x29: {  	s4 =	sld [smem:$0x3FB1]  }
0x2a: {  	p0 =	seq.s32 s5, $0x0;
	s5 =	sld [smem:$0x3FB2]  }
0x2b: {  	s6 =	sld [smem:$0x3FB3]  }
0x2c: {  	s7 =	sld [smem:$0x3FB4]  }
0x2d: {  	s3 =	simm.s32 $0x108;
	s8 =	sld [smem:$0x3FB5]  }
0x2e: {  	s3 =	simm.s32 @!p0 $0x1082;
	s9 =	sld [smem:$0x3FB6]  }
0x2f: {  	lr =	sadd.s32 s0, s3;
	s0 =	sld [smem:$0x3FAD]  }
0x30: {  	s3 =	sld [smem:$0x3FB0]  }
0x31: {  	[smem:$0x3FB9] =	sst s10  }
0x32: {  	s10 =	sld [smem:$0x3FB7];
	_ =	sdelay $0x3  }
0x33: {  	p0 =	seq.s32 s10, $0x1;
	s10 =	sld [smem:$0x3FB9];
	_ =	sdelay $0x3  }
0x34: {  	[smem:$0x3FB9] =	sst s10  }
0x35: {  	s10 =	sld [smem:$0x3FB8];
	_ =	sdelay $0x3  }
0x36: {  	p1 =	seq.s32 s10, $0x1;
	s10 =	sld [smem:$0x3FB9];
	_ =	sdelay $0x3  }
0x37: {  	[smem:$0x3FB9] =	sst s10  }
0x38: {  	s10 =	sld [smem:$0x3FBA]  }
0x39: {  	_ = 	snop;
	(pc) =	sbr.ind lr, $3  }
0x3a: {  	_ = 	snop  }
0x3b: {  	_ = 	snop  }
0x3c: {  	p2 =	seq.s32 s10, $0x1;
	s10 =	sld [smem:$0x3FB9]  }
0x3d: {  	_ =	shalt  }
0x3e: {  	_ =	shalt  }
0x3f: {  	_ =	shalt  }
0x40: {  	_ =	shalt  }
0x41: {  	_ =	shalt  }
0x42: {  	_ =	shalt  }
0x43: {  	_ =	shalt  }
0x44: {  	_ =	shalt  }
0x45: {  	_ =	shalt  }
0x46: {  	_ =	shalt  }
0x47: {  	_ =	shalt  }
0x48: {  	_ =	shalt  }
0x49: {  	_ =	shalt  }
0x4a: {  	_ =	shalt  }
0x4b: {  	_ =	shalt  }
0x4c: {  	_ =	shalt  }
0x4d: {  	_ =	shalt  }
0x4e: {  	_ =	shalt  }
0x4f: {  	_ =	shalt  }
0x50: {  	_ =	shalt  }
0x51: {  	_ =	shalt  }
0x52: {  	_ =	shalt  }
0x53: {  	_ =	shalt  }
0x54: {  	_ =	shalt  }
0x55: {  	_ =	shalt  }
0x56: {  	_ =	shalt  }
0x57: {  	_ =	shalt  }
0x58: {  	_ =	shalt  }
0x59: {  	_ =	shalt  }
0x5a: {  	_ =	shalt  }
0x5b: {  	_ =	shalt  }
0x5c: {  	_ =	shalt  }
0x5d: {  	_ =	shalt  }
0x5e: {  	_ =	shalt  }
0x5f: {  	_ =	shalt  }
0x60: {  	_ =	shalt  }
0x61: {  	_ =	shalt  }
0x62: {  	_ =	shalt  }
0x63: {  	_ =	shalt  }
0x64: {  	_ =	shalt  }
0x65: {  	_ =	shalt  }
0x66: {  	_ =	shalt  }
0x67: {  	_ =	shalt  }
0x68: {  	_ =	shalt  }
0x69: {  	_ =	shalt  }
0x6a: {  	_ =	shalt  }
0x6b: {  	_ =	shalt  }
0x6c: {  	_ =	shalt  }
0x6d: {  	_ =	shalt  }
0x6e: {  	_ =	shalt  }
0x6f: {  	_ =	shalt  }
0x70: {  	_ =	shalt  }
0x71: {  	_ =	shalt  }
0x72: {  	_ =	shalt  }
0x73: {  	_ =	shalt  }
0x74: {  	_ =	shalt  }
0x75: {  	_ =	shalt  }
0x76: {  	_ =	shalt  }
0x77: {  	_ =	shalt  }
0x78: {  	_ =	shalt  }
0x79: {  	_ =	shalt  }
0x7a: {  	_ =	shalt  }
0x7b: {  	_ =	shalt  }
0x7c: {  	_ =	shalt  }
0x7d: {  	_ =	shalt  }
0x7e: {  	_ =	shalt  }
0x7f: {  	_ =	shalt  }
0x80: {  	_ =	shalt  }
0x81: {  	_ =	shalt  }
0x82: {  	_ =	shalt  }
0x83: {  	_ =	shalt  }
0x84: {  	_ =	shalt  }
0x85: {  	_ =	shalt  }
0x86: {  	_ =	shalt  }
0x87: {  	_ =	shalt  }
.Lfunc_end0:
.L_simem_size_0:
called_computation_lowered:
.L_overlay_start_0:
0x88: {  	s2 =	sld [smem:$0x3FD9]  }
0x89: {  	s3 =	sld [smem:$0x3FFE];
	_ =	sdelay $0x1  }
0x8a: {  	s1 =	srdreg.scid  }
0x8b: {  	s0 =	sand.u32 $0x1, s1  }
0x8c: {  	s17 =	sshll.u32 s0, $0xA;
	s2 =	sadd.s32 s3, s2  }
0x8d: {  	s2 =	sadd.s32 s2, s17  }
0x8e: {  	[smem:$0x3FC5] =	sst s2  }
0x8f: {  	_ = 	snop  }
0x90: {  	s2 =	sld [smem:$0x3FC7]  }
0x91: {  	s18 =	sld [smem:$0x3FD0];
	(tm) =	ssettm $0x1  }
0x92: {  	s4 =	sld [smem:$0x3FFB];
	_ =	sdelay $0x3  }
0x93: {  	_ =	strace s4  }
0x94: {  	s4 =	sld [smem:$0x3FFC];
	_ =	sdelay $0x3  }
0x95: {  	_ =	strace s4  }
0x96: {  	s4 =	sld [smem:$0x3FFD];
	_ =	sdelay $0x3  }
0x97: {  	_ =	strace s4  }
0x98: {  	_ =	strace $0x8FFFFFFF  }
0x99: {  	s19 =	sld [smem:$0x3FDB];
	_ =	sdelay $0x1  }
0x9a: {  	s5 =	simm.s32 $_scs_section_size  }
0x9b: {  	s6 =	simm.s32 $_size__tile_overlayer_lowered;
	s7 =	simm.s32 $_tile_overlayer_lowered  }
0x9c: {  	s22 =	simm.s32 $0x1BFF;
	s21 =	sshll.u32 s7, $0x1;
	s4 =	sadd.s32 s5, s19  }
0x9d: {  	s8 =	simm.s32 $0x0;
	s20 =	sshll.u32 s6, $0x1;
	s6 =	sadd.s32 s21, s4  }
0x9e: {  	[timem:s8], [sflag:s22] =	dma.local [hbm:s6], s20  }
0x9f: {  	_ =	swait.ge [sflag:s22], s20  }
0xa0: {  	s5 =	ssub.s32 $0x0, s20;
	[sflag:s22] =	ssyncset.done $0x0  }
0xa1: {  	[sflag:s22] =	ssyncadd.s32 s5;
	_ =	sdelay $0x1  }
0xa2: {  	s23 =	simm.s32 $0x1B8B  }
0xa3: {  	_ =	swait.ge [sflag:s23], $0x1  }
0xa4: {  	[sflag:s23] =	ssyncset.done $0x0  }
0xa5: {  	s25 =	simm.s32 $0x1B8E;
	s24 =	sld [smem:$0x3FFE];
	[sflag:s23] =	ssyncadd.s32 $0xFFFFFFFF  }
0xa6: {  	s26 =	simm.s32 $execute0_lowered;
	[smem:$0x3FD2] =	sst s25  }
0xa7: {  	s6 =	sshll.u32 s26, $0x1;
	_ =	strace $0x80000046;
	[dreg:$0x1] =	wrdreg $0xFFFFFFFF  }
0xa8: {  	s28 =	simm.s32 $_size_execute0_lowered;
	s4 =	sadd.s32 s4, s6;
	[dreg:$0x0] =	wrdreg $0x0  }
0xa9: {  	s6 =	sshll.u32 s28, $0x1;
	[dreg:$0x2] =	wrdreg s4  }
0xaa: {  	[dreg:$0x3] =	wrdreg s6  }
0xab: {  	[dreg:$0x4] =	wrdreg $0xC0  }
0xac: {  	_ =	task [dreg:s8], $0x5FFFF  }
0xad: {  	[dreg:$0x1] =	wrdreg $0xFFFFFFFF  }
0xae: {  	[dreg:$0x0] =	wrdreg $0x60  }
0xaf: {  	[dreg:$0x2] =	wrdreg s24  }
0xb0: {  	[dreg:$0x3] =	wrdreg s2  }
0xb1: {  	[dreg:$0x4] =	wrdreg s18  }
0xb2: {  	[dreg:$0x5] =	wrdreg $0x9  }
0xb3: {  	_ =	task.clear_ibuf [dreg:s8], $0x6FFFF;
	_ =	strace $0x90000046  }
0xb4: {  	s29 =	simm.s32 $0x9;
	_ =	strace $0x80000048  }
0xb5: {  	_ =	swait.ge [sflag:s29], $0x1  }
0xb6: {  	[sflag:s29] =	ssyncadd.s32 $0xFFFFFFFF  }
0xb7: {  	_ =	strace $0x90000048  }
0xb8: {  	_ =	sfence  }
0xb9: {  	s30 =	sld [smem:$0x0];
	_ =	sdelay $0x2  }
0xba: {  	s31 =	sshll.u32 s1, $0xD;
	s1 =	sshrl.u32 s1, $0x2  }
0xbb: {  	s3 =	sand.u32 $0x4000, s31;
	s1 =	sadd.s32 s1, s30  }
0xbc: {  	s0 =	sor.u32 s3, s0;
	s1 =	sshll.u32 s1, $0x11  }
0xbd: {  	s0 =	sor.u32 s1, s0  }
0xbe: {  	s0 =	sadd.s32 $0x8F2B, s0  }
0xbf: {  	[sflag:s0] =	ssyncadd.remote.s32 $0x1  }
0xc0: {  	_ =	sfence.sel $0xFFFF  }
0xc1: {  	[dreg:$0x0] =	wrdreg $0xFFFFFFFF;
	(pc) =	sbr.abs _section_cstart, $3  }
0xc2: {  	[dreg:$0x1] =	wrdreg $0xFFFFFFFF  }
0xc3: {  	_ =	task.clear_ibuf [dreg:s8], $0x2FFFF;
	_ =	strace $0x9FFFFFFF  }
0xc4: {  	(tm) =	ssettm $0x7FFFFFFF  }
0xc5: {  	_ =	shalt  }
tec
execute0_lowered:
.L_overlay_start_1:
0x0: {  	(tag) =	ssettag $0x1  }
0x1: {  	s4 =	rddreg [dreg:$0x0]  }
0x2: {  	s2 =	rddreg [dreg:$0x1]  }
0x3: {  	s7 =	rddreg [dreg:$0x2];
	s3 =	srdreg.scid  }
0x4: {  	s0 =	rddreg [dreg:$0x3];
	s1 =	stileid.u32;
	s10 =	simm.s32 $0x200  }
0x5: {  	s11 =	simm.s32 $0x8400;
	s12 =	simm.s32 $0x400;
	s13 =	simm.s32 $0x4400  }
0x6: {  	s14 =	simm.s32 $0x1;
	s15 =	simm.s32 $0x2;
	s16 =	simm.s32 $0x8420  }
0x7: {  	s17 =	simm.s32 $0x0;
	s5 =	sand.u32 $0x1, s3;
	s3 =	simm.s32 $0x0  }
0x8: {  	s6 =	sshll.u32 s1, $0x7;
	s8 =	sshll.u32 s5, $0x6;
	[smem:$0x7FF] =	sst s3  }
0x9: {  	s5 =	ssub.s32 $0x2, s5;
	s8 =	sor.u32 s8, s6;
	_ =	strace $0x80000047  }
0xa: {  	v0 =	vlaneseq.u32;
	s9 =	sshrl.u32 s5, $0x1;
	s6 =	sadd.s32 s8, s4;
	s4 =	sadd.s32 $0xF42A00, s4  }
0xb: {  	v0 =	vmul.u32 $0x20, v0;
	s9 =	ssub.s32 s5, s9;
	s7 =	sadd.s32 s7, s8;
	s5 =	sadd.s32 $0x600, s6  }
0xc: {  	s6 =	sadd.s32 $0xE00, s6;
	s8 =	smax.u32 s9, $0x1;
	s9 =	simm.s32 $0x3  }
.LBB2_1:
0xd: {  	[tilespmem:s3], [sflag:$0x3] =	stream.linear.gather [hbm4b:s5+s3], $0x200, $0x38;
	[tilespmem:$0x8620] =	vst v63  }
0xe: {  	_ =	swait.ge [sflag:s9], $0x200  }
0xf: {  	[sflag:s9] =	ssyncset.done $0x0  }
0x10: {  	[sflag:s9] =	ssyncadd.s32 $0xFFFFFE00  }
0x11: {  	[tilespmem:s10], [sflag:$0x3] =	stream.linear.gather [hbm4b:s6+s3], $0x200, $0x38;
	[tilespmem:$0x8620] =	vst v63  }
0x12: {  	_ =	swait.ge [sflag:s9], $0x200  }
0x13: {  	[sflag:s9] =	ssyncset.done $0x0  }
0x14: {  	[sflag:s9] =	ssyncadd.s32 $0xFFFFFE00  }
0x15: {  	[tilespmem:s11], [sflag:$0x3] =	stream.linear.gather [hbm4b:s2+s3], $0x20, $0x38;
	[tilespmem:$0x8620] =	vst v63  }
0x16: {  	_ =	swait.ge [sflag:s9], $0x20  }
0x17: {  	[sflag:s9] =	ssyncset.done $0x0  }
0x18: {  	[sflag:s9] =	ssyncadd.s32 $0xFFFFFFE0  }
0x19: {  	[tilespmem:s12], [sflag:$0x1] =	stream.indirect.gather [hbm4b:s4+s10], $0x20, s3, s10, $0xb8;
	[tilespmem:$0x8620] =	vst v63  }
0x1a: {  	_ = 	snop  }
0x1b: {  	[tilespmem:s13], [sflag:$0x2] =	stream.indirect.gather [hbm4b:s4+s10], $0x20, s10, s10, $0xb8;
	[tilespmem:$0x8620] =	vst v63  }
0x1c: {  	v1 =	vmov s3;
	_ =	swait.ge [sflag:s14], $0x4000  }
0x1d: {  	v1 =	vshll.u32 v1, $0x5;
	[sflag:s14] =	ssyncset.done $0x0  }
0x1e: {  	v28 =	vor.u32 v0, v1;
	[sflag:s14] =	ssyncadd.s32 $0xFFFFC000  }
0x1f: {  	_ =	swait.ge [sflag:s15], $0x4000  }
0x20: {  	v1 =	vor.u32 $0x1, v28;
	[sflag:s15] =	ssyncset.done $0x0  }
0x21: {  	[sflag:s15] =	ssyncadd.s32 $0xFFFFC000  }
0x22: {  	v2 =	vor.u32 $0x2, v28;
	v16 =	vld [tilespmem:$0x8400]  }
0x23: {  	v3 =	vld.idx.msk [tilespmem:v28+s13+$0x0], $0xffff  }
0x24: {  	v6 =	vor.u32 $0x3, v28;
	v4 =	vld.idx.msk [tilespmem:v28+s12+$0x0], $0xffff  }
0x25: {  	v9 =	vor.u32 $0x4, v28;
	v7 =	vld.idx.msk [tilespmem:v1+s12+$0x0], $0xffff  }
0x26: {  	v12 =	vor.u32 $0x5, v28;
	v8 =	vld.idx.msk [tilespmem:v1+s13+$0x0], $0xffff  }
0x27: {  	v10 =	vld.idx.msk [tilespmem:v2+s12+$0x0], $0xffff  }
0x28: {  	v11 =	vld.idx.msk [tilespmem:v2+s13+$0x0], $0xffff  }
0x29: {  	v13 =	vld.idx.msk [tilespmem:v6+s12+$0x0], $0xffff  }
0x2a: {  	v14 =	vld.idx.msk [tilespmem:v9+s12+$0x0], $0xffff  }
0x2b: {  	v15 =	vld.idx.msk [tilespmem:v12+s12+$0x0], $0xffff  }
0x2c: {  	v2 =	vmul.f32 v3, v4;
	v4 =	vld.idx.msk [tilespmem:v6+s13+$0x0], $0xffff;
	v6 =	vor.u32 $0x6, v28  }
0x2d: {  	v12 =	vld.idx.msk [tilespmem:v12+s13+$0x0], $0xffff;
	v5 =	vbroadcast v16, $0x0  }
0x2e: {  	v1 =	vbroadcast v16, $0x1;
	v7 =	vmul.f32 v8, v7;
	v8 =	vld.idx.msk [tilespmem:v9+s13+$0x0], $0xffff;
	v9 =	vor.u32 $0x7, v28  }
0x2f: {  	v10 =	vmul.f32 v11, v10;
	v11 =	vor.u32 $0x8, v28;
	v3 =	vmul.f32 v2, v5;
	_ =	sdelay $0x1  }
0x30: {  	v2 =	vbroadcast v16, $0x2;
	v7 =	vmul.f32 v7, v1;
	v17 =	vadd.f32 $0.0e+00, v3;
	v18 =	vld.idx.msk [tilespmem:v6+s12+$0x0], $0xffff  }
0x31: {  	v12 =	vmul.f32 v12, v15;
	v15 =	vor.u32 $0xB, v28;
	v3 =	vbroadcast v16, $0x3;
	v19 =	vld.idx.msk [tilespmem:v6+s13+$0x0], $0xffff  }
0x32: {  	v10 =	vmul.f32 v10, v2;
	v13 =	vmul.f32 v4, v13;
	v20 =	vld.idx.msk [tilespmem:v9+s12+$0x0], $0xffff;
	v7 =	vadd.f32 v7, v17  }
0x33: {  	v8 =	vmul.f32 v8, v14;
	v14 =	vld.idx.msk [tilespmem:v11+s12+$0x0], $0xffff;
	v17 =	vor.u32 $0x9, v28  }
0x34: {  	v4 =	vbroadcast v16, $0x4;
	v11 =	vld.idx.msk [tilespmem:v11+s13+$0x0], $0xffff;
	v7 =	vadd.f32 v10, v7;
	v10 =	vmul.f32 v13, v3  }
0x35: {  	v6 =	vbroadcast v16, $0x5;
	v9 =	vld.idx.msk [tilespmem:v9+s13+$0x0], $0xffff;
	v13 =	vor.u32 $0xA, v28  }
0x36: {  	v23 =	vld.idx.msk [tilespmem:v15+s12+$0x0], $0xffff;
	v8 =	vmul.f32 v8, v4;
	v10 =	vadd.f32 v10, v7  }
0x37: {  	v15 =	vld.idx.msk [tilespmem:v15+s13+$0x0], $0xffff;
	v12 =	vmul.f32 v12, v6;
	v7 =	vbroadcast v16, $0x6  }
0x38: {  	v18 =	vmul.f32 v19, v18;
	v19 =	vor.u32 $0xC, v28;
	v21 =	vld.idx.msk [tilespmem:v17+s12+$0x0], $0xffff;
	v10 =	vadd.f32 v8, v10  }
0x39: {  	v11 =	vmul.f32 v11, v14;
	v14 =	vor.u32 $0xE, v28;
	v17 =	vld.idx.msk [tilespmem:v17+s13+$0x0], $0xffff;
	v8 =	vbroadcast v16, $0x7  }
0x3a: {  	v22 =	vld.idx.msk [tilespmem:v13+s12+$0x0], $0xffff;
	v10 =	vadd.f32 v12, v10;
	v12 =	vmul.f32 v18, v7;
	v18 =	vmul.f32 v9, v20  }
0x3b: {  	v13 =	vld.idx.msk [tilespmem:v13+s13+$0x0], $0xffff;
	v9 =	vbroadcast v16, $0x8  }
0x3c: {  	v32 =	vld [tilespmem:$0x8410];
	v20 =	vor.u32 $0xD, v28;
	v12 =	vadd.f32 v12, v10;
	v18 =	vmul.f32 v18, v8  }
0x3d: {  	v15 =	vmul.f32 v15, v23;
	v23 =	vor.u32 $0x11, v28;
	v24 =	vld.idx.msk [tilespmem:v19+s12+$0x0], $0xffff;
	v10 =	vbroadcast v16, $0x9  }
0x3e: {  	v19 =	vld.idx.msk [tilespmem:v19+s13+$0x0], $0xffff;
	v17 =	vmul.f32 v17, v21;
	v12 =	vadd.f32 v18, v12;
	v18 =	vmul.f32 v11, v9  }
0x3f: {  	v26 =	vld.idx.msk [tilespmem:v14+s12+$0x0], $0xffff;
	v21 =	vor.u32 $0xF, v28;
	v11 =	vbroadcast v16, $0xA  }
0x40: {  	v27 =	vld.idx.msk [tilespmem:v14+s13+$0x0], $0xffff;
	v17 =	vmul.f32 v17, v10;
	v13 =	vmul.f32 v13, v22;
	v18 =	vadd.f32 v18, v12  }
0x41: {  	v22 =	vor.u32 $0x10, v28;
	v25 =	vld.idx.msk [tilespmem:v20+s12+$0x0], $0xffff  }
0x42: {  	v20 =	vld.idx.msk [tilespmem:v20+s13+$0x0], $0xffff;
	v12 =	vbroadcast v16, $0xB;
	v17 =	vadd.f32 v17, v18;
	v18 =	vmul.f32 v13, v11  }
0x43: {  	v30 =	vld.idx.msk [tilespmem:v23+s12+$0x0], $0xffff;
	v13 =	vbroadcast v16, $0xC  }
0x44: {  	v29 =	vld.idx.msk [tilespmem:v21+s12+$0x0], $0xffff;
	v15 =	vmul.f32 v15, v12;
	v17 =	vadd.f32 v18, v17;
	v18 =	vmul.f32 v19, v24  }
0x45: {  	v21 =	vld.idx.msk [tilespmem:v21+s13+$0x0], $0xffff;
	v19 =	vor.u32 $0x12, v28  }
0x46: {  	v23 =	vld.idx.msk [tilespmem:v23+s13+$0x0], $0xffff;
	v17 =	vadd.f32 v15, v17;
	v18 =	vmul.f32 v18, v13  }
0x47: {  	v14 =	vbroadcast v16, $0xD;
	v24 =	vld.idx.msk [tilespmem:v22+s12+$0x0], $0xffff;
	v20 =	vmul.f32 v20, v25;
	v25 =	vor.u32 $0x13, v28  }
0x48: {  	v22 =	vld.idx.msk [tilespmem:v22+s13+$0x0], $0xffff;
	v15 =	vbroadcast v16, $0xE;
	v17 =	vadd.f32 v18, v17  }
0x49: {  	v18 =	vmul.f32 v20, v14;
	v20 =	vmul.f32 v27, v26;
	v26 =	vor.u32 $0x14, v28  }
0x4a: {  	v16 =	vbroadcast v16, $0xF;
	v21 =	vmul.f32 v21, v29;
	v27 =	vld.idx.msk [tilespmem:v19+s12+$0x0], $0xffff  }
0x4b: {  	v29 =	vor.u32 $0x15, v28;
	v31 =	vld.idx.msk [tilespmem:v19+s13+$0x0], $0xffff;
	v18 =	vadd.f32 v18, v17;
	v20 =	vmul.f32 v20, v15  }
0x4c: {  	v23 =	vmul.f32 v23, v30;
	v30 =	vor.u32 $0x17, v28;
	v33 =	vld.idx.msk [tilespmem:v25+s12+$0x0], $0xffff;
	v17 =	vbroadcast v32, $0x0  }
0x4d: {  	v19 =	vadd.f32 v20, v18;
	v20 =	vmul.f32 v21, v16;
	v21 =	vmul.f32 v22, v24;
	v24 =	vld.idx.msk [tilespmem:v25+s13+$0x0], $0xffff  }
0x4e: {  	v18 =	vbroadcast v32, $0x1;
	v22 =	vor.u32 $0x16, v28;
	v25 =	vld.idx.msk [tilespmem:v26+s12+$0x0], $0xffff  }
0x4f: {  	v26 =	vld.idx.msk [tilespmem:v26+s13+$0x0], $0xffff;
	v20 =	vadd.f32 v20, v19;
	v21 =	vmul.f32 v21, v17  }
0x50: {  	v34 =	vld.idx.msk [tilespmem:v29+s12+$0x0], $0xffff;
	v19 =	vbroadcast v32, $0x2;
	v23 =	vmul.f32 v23, v18  }
0x51: {  	v29 =	vld.idx.msk [tilespmem:v29+s13+$0x0], $0xffff;
	v27 =	vmul.f32 v31, v27;
	v31 =	vor.u32 $0x18, v28;
	v21 =	vadd.f32 v21, v20  }
0x52: {  	v58 =	vor.u32 $0x19, v28;
	v37 =	vld.idx.msk [tilespmem:v30+s12+$0x0], $0xffff;
	v20 =	vbroadcast v32, $0x3  }
0x53: {  	v27 =	vmul.f32 v27, v19;
	v35 =	vld.idx.msk [tilespmem:v22+s12+$0x0], $0xffff;
	v24 =	vmul.f32 v24, v33;
	v23 =	vadd.f32 v23, v21  }
0x54: {  	v36 =	vld.idx.msk [tilespmem:v22+s13+$0x0], $0xffff;
	v21 =	vbroadcast v32, $0x4;
	v25 =	vmul.f32 v26, v25  }
0x55: {  	v26 =	vor.u32 $0x1A, v28;
	v24 =	vmul.f32 v24, v20;
	v23 =	vadd.f32 v27, v23;
	v27 =	vld.idx.msk [tilespmem:v30+s13+$0x0], $0xffff  }
0x56: {  	v29 =	vmul.f32 v29, v34;
	v22 =	vbroadcast v32, $0x5;
	v30 =	vld.idx.msk [tilespmem:v31+s12+$0x0], $0xffff  }
0x57: {  	v59 =	vor.u32 $0x1B, v28;
	v25 =	vmul.f32 v25, v21;
	v31 =	vld.idx.msk [tilespmem:v31+s13+$0x0], $0xffff;
	v24 =	vadd.f32 v24, v23  }
0x58: {  	v60 =	vor.u32 $0x1C, v28;
	v38 =	vld.idx.msk [tilespmem:v58+s12+$0x0], $0xffff;
	v29 =	vmul.f32 v29, v22  }
0x59: {  	v33 =	vld.idx.msk [tilespmem:v58+s13+$0x0], $0xffff;
	v23 =	vbroadcast v32, $0x6;
	v35 =	vmul.f32 v36, v35;
	v25 =	vadd.f32 v25, v24  }
0x5a: {  	v61 =	vor.u32 $0x1D, v28;
	v39 =	vld.idx.msk [tilespmem:v26+s12+$0x0], $0xffff;
	v24 =	vbroadcast v32, $0x7  }
0x5b: {  	v40 =	vld.idx.msk [tilespmem:v26+s13+$0x0], $0xffff;
	v35 =	vmul.f32 v35, v23;
	v27 =	vmul.f32 v27, v37;
	v29 =	vadd.f32 v29, v25  }
0x5c: {  	v41 =	vld.idx.msk [tilespmem:v59+s12+$0x0], $0xffff;
	v30 =	vmul.f32 v31, v30;
	v31 =	vor.u32 $0x1E, v28  }
0x5d: {  	v34 =	vld.idx.msk [tilespmem:v59+s13+$0x0], $0xffff;
	v25 =	vbroadcast v32, $0x8;
	v27 =	vmul.f32 v27, v24;
	v29 =	vadd.f32 v35, v29  }
0x5e: {  	v63 =	vor.u32 $0x1F, v28;
	v62 =	vld.idx.msk [tilespmem:v60+s12+$0x0], $0xffff;
	v33 =	vmul.f32 v33, v38  }
0x5f: {  	v42 =	vld.idx.msk [tilespmem:v61+s12+$0x0], $0xffff;
	v26 =	vbroadcast v32, $0x9;
	v30 =	vmul.f32 v30, v25;
	v29 =	vadd.f32 v27, v29  }
0x60: {  	v36 =	vld.idx.msk [tilespmem:v60+s13+$0x0], $0xffff;
	v44 =	vmul.f32 v40, v39  }
0x61: {  	v37 =	vld.idx.msk [tilespmem:v61+s13+$0x0], $0xffff;
	v27 =	vbroadcast v32, $0xA;
	v29 =	vadd.f32 v30, v29;
	v30 =	vmul.f32 v33, v26  }
0x62: {  	v34 =	vmul.f32 v34, v41;
	v28 =	vbroadcast v32, $0xB;
	v45 =	vld.idx.msk [tilespmem:v31+s12+$0x0], $0xffff  }
0x63: {  	v46 =	vld.idx.msk [tilespmem:v31+s13+$0x0], $0xffff;
	v33 =	vmul.f32 v44, v27;
	v30 =	vadd.f32 v30, v29  }
0x64: {  	v47 =	vld.idx.msk [tilespmem:v63+s12+$0x0], $0xffff;
	v48 =	vmul.f32 v34, v28  }
0x65: {  	v50 =	vld.idx.msk [tilespmem:v63+s13+$0x0], $0xffff;
	v49 =	vmul.f32 v36, v62;
	v29 =	vbroadcast v32, $0xC;
	v31 =	vadd.f32 v33, v30  }
0x66: {  	v51 =	vmul.f32 v37, v42  }
0x67: {  	v30 =	vbroadcast v32, $0xD;
	v34 =	vmul.f32 v49, v29;
	v33 =	vadd.f32 v48, v31  }
0x68: {  	v53 =	vmul.f32 v46, v45  }
0x69: {  	v31 =	vbroadcast v32, $0xE;
	v52 =	vmul.f32 v51, v30;
	v33 =	vadd.f32 v34, v33  }
0x6a: {  	v35 =	vmul.f32 v50, v47  }
0x6b: {  	v32 =	vbroadcast v32, $0xF;
	v54 =	vmul.f32 v53, v31;
	v33 =	vadd.f32 v52, v33;
	_ =	sdelay $0x1  }
0x6c: {  	v55 =	vmul.f32 v35, v32;
	v33 =	vadd.f32 v54, v33;
	_ =	sdelay $0x1  }
0x6d: {  	v33 =	vadd.f32 v55, v33;
	_ =	sdelay $0x1  }
0x6e: {  	v33 =	vsub.f32 $0.0e+00, v33;
	_ =	sdelay $0x1  }
0x6f: {  	v33 =	vmul.f32 $1.442695020e+00, v33;
	_ =	sdelay $0x1  }
0x70: {  	(erf) = vpow2.f32 v33;
	_ =	sdelay $0x8  }
0x71: {  	v33 =	vpop (erf)  }
0x72: {  	v33 =	vadd.f32 $1.000000000e+00, v33;
	_ =	sdelay $0x1  }
0x73: {  	(erf) = vrcp.f32 v33;
	_ =	sdelay $0x2  }
0x74: {  	s18 =	simm.s32 $0x10  }
0x75: {  	v56 =	vmov s18  }
0x76: {  	v33 =	vshll.u32 v56, $0x5  }
0x77: {  	v33 =	vor.u32 v0, v33;
	_ =	sdelay $0x1  }
0x78: {  	v57 =	vor.u32 $0x1, v33  }
0x79: {  	v58 =	vpop (erf)  }
0x7a: {  	v59 =	vor.u32 $0x2, v33;
	[tilespmem:s16+$0x0] =	vst v58  }
0x7b: {  	v35 =	vld.idx.msk [tilespmem:v33+s13+$0x0], $0xffff  }
0x7c: {  	v61 =	vor.u32 $0x3, v33;
	v60 =	vld.idx.msk [tilespmem:v33+s12+$0x0], $0xffff  }
0x7d: {  	v62 =	vld.idx.msk [tilespmem:v57+s12+$0x0], $0xffff  }
0x7e: {  	v63 =	vor.u32 $0x4, v33;
	v34 =	vld.idx.msk [tilespmem:v57+s13+$0x0], $0xffff  }
0x7f: {  	v48 =	vld.idx.msk [tilespmem:v59+s12+$0x0], $0xffff  }
0x80: {  	v49 =	vor.u32 $0x5, v33;
	v36 =	vld.idx.msk [tilespmem:v59+s13+$0x0], $0xffff  }
0x81: {  	v43 =	vld.idx.msk [tilespmem:v61+s12+$0x0], $0xffff;
	v35 =	vmul.f32 v35, v60  }
0x82: {  	v51 =	vor.u32 $0x6, v33;
	v50 =	vld.idx.msk [tilespmem:v61+s13+$0x0], $0xffff  }
0x83: {  	v44 =	vld.idx.msk [tilespmem:v63+s12+$0x0], $0xffff;
	v34 =	vmul.f32 v34, v62;
	v35 =	vmul.f32 v35, v5  }
0x84: {  	v53 =	vor.u32 $0x7, v33;
	v52 =	vld.idx.msk [tilespmem:v63+s13+$0x0], $0xffff  }
0x85: {  	v45 =	vld.idx.msk [tilespmem:v49+s12+$0x0], $0xffff;
	v36 =	vmul.f32 v36, v48;
	v34 =	vmul.f32 v34, v1;
	v35 =	vadd.f32 $0.0e+00, v35  }
0x86: {  	v54 =	vor.u32 $0x8, v33;
	v42 =	vld.idx.msk [tilespmem:v49+s13+$0x0], $0xffff  }
0x87: {  	v46 =	vld.idx.msk [tilespmem:v51+s12+$0x0], $0xffff;
	v56 =	vmul.f32 v50, v43;
	v55 =	vmul.f32 v36, v2;
	v34 =	vadd.f32 v34, v35  }
0x88: {  	v57 =	vor.u32 $0x9, v33;
	v38 =	vld.idx.msk [tilespmem:v51+s13+$0x0], $0xffff  }
0x89: {  	v58 =	vld.idx.msk [tilespmem:v53+s12+$0x0], $0xffff;
	v60 =	vmul.f32 v52, v44;
	v59 =	vmul.f32 v56, v3;
	v34 =	vadd.f32 v55, v34  }
0x8a: {  	v61 =	vor.u32 $0xA, v33;
	v40 =	vld.idx.msk [tilespmem:v53+s13+$0x0], $0xffff  }
0x8b: {  	v41 =	vld.idx.msk [tilespmem:v54+s13+$0x0], $0xffff;
	v48 =	vmul.f32 v42, v45;
	v63 =	vmul.f32 v60, v4;
	v34 =	vadd.f32 v59, v34  }
0x8c: {  	v49 =	vor.u32 $0xB, v33;
	v62 =	vld.idx.msk [tilespmem:v54+s12+$0x0], $0xffff  }
0x8d: {  	v50 =	vld.idx.msk [tilespmem:v57+s12+$0x0], $0xffff;
	v52 =	vmul.f32 v38, v46;
	v51 =	vmul.f32 v48, v6;
	v34 =	vadd.f32 v63, v34  }
0x8e: {  	v53 =	vor.u32 $0xC, v33;
	v37 =	vld.idx.msk [tilespmem:v57+s13+$0x0], $0xffff  }
0x8f: {  	v54 =	vld.idx.msk [tilespmem:v61+s12+$0x0], $0xffff;
	v56 =	vmul.f32 v40, v58;
	v55 =	vmul.f32 v52, v7;
	v34 =	vadd.f32 v51, v34  }
0x90: {  	v57 =	vor.u32 $0xD, v33;
	v39 =	vld.idx.msk [tilespmem:v61+s13+$0x0], $0xffff  }
0x91: {  	v42 =	vld.idx.msk [tilespmem:v49+s13+$0x0], $0xffff;
	v60 =	vmul.f32 v41, v62;
	v59 =	vmul.f32 v56, v8;
	v34 =	vadd.f32 v55, v34  }
0x92: {  	v61 =	vor.u32 $0xE, v33;
	v58 =	vld.idx.msk [tilespmem:v49+s12+$0x0], $0xffff  }
0x93: {  	v38 =	vld.idx.msk [tilespmem:v53+s13+$0x0], $0xffff;
	v48 =	vmul.f32 v37, v50;
	v63 =	vmul.f32 v60, v9;
	v34 =	vadd.f32 v59, v34  }
0x94: {  	v49 =	vor.u32 $0xF, v33;
	v62 =	vld.idx.msk [tilespmem:v53+s12+$0x0], $0xffff  }
0x95: {  	v50 =	vld.idx.msk [tilespmem:v57+s12+$0x0], $0xffff;
	v52 =	vmul.f32 v39, v54;
	v51 =	vmul.f32 v48, v10;
	v34 =	vadd.f32 v63, v34  }
0x96: {  	v53 =	vor.u32 $0x10, v33;
	v40 =	vld.idx.msk [tilespmem:v57+s13+$0x0], $0xffff  }
0x97: {  	v41 =	vld.idx.msk [tilespmem:v61+s13+$0x0], $0xffff;
	v56 =	vmul.f32 v42, v58;
	v55 =	vmul.f32 v52, v11;
	v34 =	vadd.f32 v51, v34  }
0x98: {  	v57 =	vor.u32 $0x11, v33;
	v54 =	vld.idx.msk [tilespmem:v61+s12+$0x0], $0xffff  }
0x99: {  	v37 =	vld.idx.msk [tilespmem:v49+s13+$0x0], $0xffff;
	v60 =	vmul.f32 v38, v62;
	v59 =	vmul.f32 v56, v12;
	v34 =	vadd.f32 v55, v34  }
0x9a: {  	v61 =	vor.u32 $0x12, v33;
	v58 =	vld.idx.msk [tilespmem:v49+s12+$0x0], $0xffff  }
0x9b: {  	v39 =	vld.idx.msk [tilespmem:v53+s13+$0x0], $0xffff;
	v48 =	vmul.f32 v40, v50;
	v63 =	vmul.f32 v60, v13;
	v34 =	vadd.f32 v59, v34  }
0x9c: {  	v49 =	vor.u32 $0x13, v33;
	v62 =	vld.idx.msk [tilespmem:v53+s12+$0x0], $0xffff  }
0x9d: {  	v42 =	vld.idx.msk [tilespmem:v57+s13+$0x0], $0xffff;
	v52 =	vmul.f32 v41, v54;
	v51 =	vmul.f32 v48, v14;
	v34 =	vadd.f32 v63, v34  }
0x9e: {  	v53 =	vor.u32 $0x14, v33;
	v50 =	vld.idx.msk [tilespmem:v57+s12+$0x0], $0xffff  }
0x9f: {  	v38 =	vld.idx.msk [tilespmem:v61+s13+$0x0], $0xffff;
	v56 =	vmul.f32 v37, v58;
	v55 =	vmul.f32 v52, v15;
	v34 =	vadd.f32 v51, v34  }
0xa0: {  	v57 =	vor.u32 $0x15, v33;
	v54 =	vld.idx.msk [tilespmem:v61+s12+$0x0], $0xffff  }
0xa1: {  	v40 =	vld.idx.msk [tilespmem:v49+s13+$0x0], $0xffff;
	v60 =	vmul.f32 v39, v62;
	v59 =	vmul.f32 v56, v16;
	v34 =	vadd.f32 v55, v34  }
0xa2: {  	v61 =	vor.u32 $0x16, v33;
	v58 =	vld.idx.msk [tilespmem:v49+s12+$0x0], $0xffff  }
0xa3: {  	v41 =	vld.idx.msk [tilespmem:v53+s13+$0x0], $0xffff;
	v48 =	vmul.f32 v42, v50;
	v63 =	vmul.f32 v60, v17;
	v34 =	vadd.f32 v59, v34  }
0xa4: {  	v49 =	vor.u32 $0x17, v33;
	v62 =	vld.idx.msk [tilespmem:v53+s12+$0x0], $0xffff  }
0xa5: {  	v37 =	vld.idx.msk [tilespmem:v57+s13+$0x0], $0xffff;
	v52 =	vmul.f32 v38, v54;
	v51 =	vmul.f32 v48, v18;
	v34 =	vadd.f32 v63, v34  }
0xa6: {  	v53 =	vor.u32 $0x18, v33;
	v50 =	vld.idx.msk [tilespmem:v57+s12+$0x0], $0xffff  }
0xa7: {  	v39 =	vld.idx.msk [tilespmem:v61+s13+$0x0], $0xffff;
	v56 =	vmul.f32 v40, v58;
	v55 =	vmul.f32 v52, v19;
	v34 =	vadd.f32 v51, v34  }
0xa8: {  	v57 =	vor.u32 $0x19, v33;
	v54 =	vld.idx.msk [tilespmem:v61+s12+$0x0], $0xffff  }
0xa9: {  	v42 =	vld.idx.msk [tilespmem:v49+s13+$0x0], $0xffff;
	v60 =	vmul.f32 v41, v62;
	v59 =	vmul.f32 v56, v20;
	v34 =	vadd.f32 v55, v34  }
0xaa: {  	v61 =	vor.u32 $0x1A, v33;
	v58 =	vld.idx.msk [tilespmem:v49+s12+$0x0], $0xffff  }
0xab: {  	v38 =	vld.idx.msk [tilespmem:v53+s13+$0x0], $0xffff;
	v48 =	vmul.f32 v37, v50;
	v63 =	vmul.f32 v60, v21;
	v34 =	vadd.f32 v59, v34  }
0xac: {  	v49 =	vor.u32 $0x1B, v33;
	v62 =	vld.idx.msk [tilespmem:v53+s12+$0x0], $0xffff  }
0xad: {  	v40 =	vld.idx.msk [tilespmem:v57+s13+$0x0], $0xffff;
	v52 =	vmul.f32 v39, v54;
	v51 =	vmul.f32 v48, v22;
	v34 =	vadd.f32 v63, v34  }
0xae: {  	v53 =	vor.u32 $0x1C, v33;
	v50 =	vld.idx.msk [tilespmem:v57+s12+$0x0], $0xffff  }
0xaf: {  	v41 =	vld.idx.msk [tilespmem:v61+s13+$0x0], $0xffff;
	v56 =	vmul.f32 v42, v58;
	v55 =	vmul.f32 v52, v23;
	v34 =	vadd.f32 v51, v34  }
0xb0: {  	v57 =	vor.u32 $0x1D, v33;
	v54 =	vld.idx.msk [tilespmem:v61+s12+$0x0], $0xffff  }
0xb1: {  	v37 =	vld.idx.msk [tilespmem:v49+s13+$0x0], $0xffff;
	v60 =	vmul.f32 v38, v62;
	v59 =	vmul.f32 v56, v24;
	v34 =	vadd.f32 v55, v34  }
0xb2: {  	v61 =	vor.u32 $0x1E, v33;
	v58 =	vld.idx.msk [tilespmem:v49+s12+$0x0], $0xffff  }
0xb3: {  	v39 =	vld.idx.msk [tilespmem:v53+s13+$0x0], $0xffff;
	v45 =	vmul.f32 v40, v50;
	v63 =	vmul.f32 v60, v25;
	v34 =	vadd.f32 v59, v34  }
0xb4: {  	v33 =	vor.u32 $0x1F, v33;
	v62 =	vld.idx.msk [tilespmem:v53+s12+$0x0], $0xffff  }
0xb5: {  	v47 =	vld.idx.msk [tilespmem:v57+s12+$0x0], $0xffff;
	v49 =	vmul.f32 v41, v54;
	v48 =	vmul.f32 v45, v26;
	v34 =	vadd.f32 v63, v34  }
0xb6: {  	v50 =	vld.idx.msk [tilespmem:v57+s13+$0x0], $0xffff  }
0xb7: {  	v54 =	vld.idx.msk [tilespmem:v61+s13+$0x0], $0xffff;
	v53 =	vmul.f32 v37, v58;
	v52 =	vmul.f32 v49, v27;
	v34 =	vadd.f32 v48, v34  }
0xb8: {  	v51 =	vld.idx.msk [tilespmem:v61+s12+$0x0], $0xffff  }
0xb9: {  	v57 =	vmul.f32 v39, v62;
	v56 =	vmul.f32 v53, v28;
	v55 =	vld.idx.msk [tilespmem:v33+s12+$0x0], $0xffff;
	v34 =	vadd.f32 v52, v34  }
0xba: {  	v33 =	vld.idx.msk [tilespmem:v33+s13+$0x0], $0xffff  }
0xbb: {  	v58 =	vmul.f32 v57, v29;
	v59 =	vmul.f32 v50, v47;
	v34 =	vadd.f32 v56, v34;
	_ =	sdelay $0x1  }
0xbc: {  	v61 =	vmul.f32 v54, v51;
	v60 =	vmul.f32 v59, v30;
	v34 =	vadd.f32 v58, v34;
	_ =	sdelay $0x1  }
0xbd: {  	v62 =	vmul.f32 v61, v31;
	v33 =	vmul.f32 v33, v55;
	v34 =	vadd.f32 v60, v34;
	_ =	sdelay $0x1  }
0xbe: {  	v33 =	vmul.f32 v33, v32;
	v34 =	vadd.f32 v62, v34;
	_ =	sdelay $0x1  }
0xbf: {  	v33 =	vadd.f32 v33, v34;
	_ =	sdelay $0x1  }
0xc0: {  	v33 =	vsub.f32 $0.0e+00, v33;
	_ =	sdelay $0x1  }
0xc1: {  	v33 =	vmul.f32 $1.442695020e+00, v33;
	_ =	sdelay $0x1  }
0xc2: {  	(erf) = vpow2.f32 v33;
	_ =	sdelay $0x8  }
0xc3: {  	v33 =	vpop (erf)  }
0xc4: {  	v33 =	vadd.f32 $1.000000000e+00, v33;
	_ =	sdelay $0x1  }
0xc5: {  	(erf) = vrcp.f32 v33;
	_ =	sdelay $0x2  }
0xc6: {  	s31 =	simm.s32 $0x20  }
0xc7: {  	v63 =	vmov s31  }
0xc8: {  	s19 =	simm.s32 $0x30;
	s18 =	simm.s32 $0x8420;
	v33 =	vshll.u32 v63, $0x5  }
.LBB2_2:
0xc9: {  	p0 =	sne.s32 s19, $0x1F0;
	v33 =	vor.u32 v0, v33;
	_ =	sdelay $0x1  }
0xca: {  	v34 =	vor.u32 $0x1, v33  }
0xcb: {  	s18 =	sadd.s32 $0x10, s18;
	v35 =	vpop (erf)  }
0xcc: {  	v36 =	vor.u32 $0x2, v33;
	[tilespmem:s18+$0x0] =	vst v35  }
0xcd: {  	v35 =	vld.idx.msk [tilespmem:v33+s13+$0x0], $0xffff  }
0xce: {  	v38 =	vor.u32 $0x3, v33;
	v37 =	vld.idx.msk [tilespmem:v33+s12+$0x0], $0xffff  }
0xcf: {  	v39 =	vld.idx.msk [tilespmem:v34+s12+$0x0], $0xffff  }
0xd0: {  	v40 =	vor.u32 $0x4, v33;
	v34 =	vld.idx.msk [tilespmem:v34+s13+$0x0], $0xffff  }
0xd1: {  	v41 =	vld.idx.msk [tilespmem:v36+s12+$0x0], $0xffff  }
0xd2: {  	v42 =	vor.u32 $0x5, v33;
	v36 =	vld.idx.msk [tilespmem:v36+s13+$0x0], $0xffff  }
0xd3: {  	v43 =	vld.idx.msk [tilespmem:v38+s12+$0x0], $0xffff  }
0xd4: {  	v35 =	vmul.f32 v35, v37;
	v37 =	vld.idx.msk [tilespmem:v38+s13+$0x0], $0xffff;
	v38 =	vor.u32 $0x6, v33  }
0xd5: {  	v44 =	vld.idx.msk [tilespmem:v40+s12+$0x0], $0xffff  }
0xd6: {  	v35 =	vmul.f32 v35, v5;
	v34 =	vmul.f32 v34, v39;
	v39 =	vld.idx.msk [tilespmem:v40+s13+$0x0], $0xffff;
	v40 =	vor.u32 $0x7, v33  }
0xd7: {  	v46 =	vor.u32 $0x8, v33;
	v45 =	vld.idx.msk [tilespmem:v42+s12+$0x0], $0xffff  }
0xd8: {  	v35 =	vadd.f32 $0.0e+00, v35;
	v34 =	vmul.f32 v34, v1;
	v36 =	vmul.f32 v36, v41;
	v41 =	vld.idx.msk [tilespmem:v42+s13+$0x0], $0xffff  }
0xd9: {  	v47 =	vor.u32 $0x9, v33;
	v42 =	vld.idx.msk [tilespmem:v38+s12+$0x0], $0xffff  }
0xda: {  	v34 =	vadd.f32 v34, v35;
	v35 =	vmul.f32 v36, v2;
	v36 =	vmul.f32 v37, v43;
	v37 =	vld.idx.msk [tilespmem:v38+s13+$0x0], $0xffff  }
0xdb: {  	v43 =	vor.u32 $0xA, v33;
	v38 =	vld.idx.msk [tilespmem:v40+s12+$0x0], $0xffff  }
0xdc: {  	v34 =	vadd.f32 v35, v34;
	v35 =	vmul.f32 v36, v3;
	v36 =	vmul.f32 v39, v44;
	v39 =	vld.idx.msk [tilespmem:v40+s13+$0x0], $0xffff  }
0xdd: {  	v44 =	vor.u32 $0xB, v33;
	v40 =	vld.idx.msk [tilespmem:v46+s12+$0x0], $0xffff  }
0xde: {  	v34 =	vadd.f32 v35, v34;
	v35 =	vmul.f32 v36, v4;
	v36 =	vmul.f32 v41, v45;
	v41 =	vld.idx.msk [tilespmem:v46+s13+$0x0], $0xffff  }
0xdf: {  	v46 =	vor.u32 $0xC, v33;
	v45 =	vld.idx.msk [tilespmem:v47+s12+$0x0], $0xffff  }
0xe0: {  	v34 =	vadd.f32 v35, v34;
	v35 =	vmul.f32 v36, v6;
	v36 =	vmul.f32 v37, v42;
	v37 =	vld.idx.msk [tilespmem:v47+s13+$0x0], $0xffff  }
0xe1: {  	v47 =	vor.u32 $0xD, v33;
	v42 =	vld.idx.msk [tilespmem:v43+s12+$0x0], $0xffff  }
0xe2: {  	v34 =	vadd.f32 v35, v34;
	v35 =	vmul.f32 v36, v7;
	v36 =	vmul.f32 v39, v38;
	v38 =	vld.idx.msk [tilespmem:v43+s13+$0x0], $0xffff  }
0xe3: {  	v43 =	vor.u32 $0xE, v33;
	v39 =	vld.idx.msk [tilespmem:v44+s12+$0x0], $0xffff  }
0xe4: {  	v34 =	vadd.f32 v35, v34;
	v35 =	vmul.f32 v36, v8;
	v36 =	vmul.f32 v41, v40;
	v40 =	vld.idx.msk [tilespmem:v44+s13+$0x0], $0xffff  }
0xe5: {  	v44 =	vor.u32 $0xF, v33;
	v41 =	vld.idx.msk [tilespmem:v46+s12+$0x0], $0xffff  }
0xe6: {  	v34 =	vadd.f32 v35, v34;
	v35 =	vmul.f32 v36, v9;
	v36 =	vmul.f32 v37, v45;
	v37 =	vld.idx.msk [tilespmem:v46+s13+$0x0], $0xffff  }
0xe7: {  	v46 =	vor.u32 $0x10, v33;
	v45 =	vld.idx.msk [tilespmem:v47+s12+$0x0], $0xffff  }
0xe8: {  	v34 =	vadd.f32 v35, v34;
	v35 =	vmul.f32 v36, v10;
	v36 =	vmul.f32 v38, v42;
	v38 =	vld.idx.msk [tilespmem:v47+s13+$0x0], $0xffff  }
0xe9: {  	v47 =	vor.u32 $0x11, v33;
	v42 =	vld.idx.msk [tilespmem:v43+s12+$0x0], $0xffff  }
0xea: {  	v34 =	vadd.f32 v35, v34;
	v35 =	vmul.f32 v36, v11;
	v36 =	vmul.f32 v40, v39;
	v39 =	vld.idx.msk [tilespmem:v43+s13+$0x0], $0xffff  }
0xeb: {  	v43 =	vor.u32 $0x12, v33;
	v40 =	vld.idx.msk [tilespmem:v44+s12+$0x0], $0xffff  }
0xec: {  	v34 =	vadd.f32 v35, v34;
	v35 =	vmul.f32 v36, v12;
	v36 =	vmul.f32 v37, v41;
	v37 =	vld.idx.msk [tilespmem:v44+s13+$0x0], $0xffff  }
0xed: {  	v44 =	vor.u32 $0x13, v33;
	v41 =	vld.idx.msk [tilespmem:v46+s12+$0x0], $0xffff  }
0xee: {  	v34 =	vadd.f32 v35, v34;
	v35 =	vmul.f32 v36, v13;
	v36 =	vmul.f32 v38, v45;
	v38 =	vld.idx.msk [tilespmem:v46+s13+$0x0], $0xffff  }
0xef: {  	v46 =	vor.u32 $0x14, v33;
	v45 =	vld.idx.msk [tilespmem:v47+s12+$0x0], $0xffff  }
0xf0: {  	v34 =	vadd.f32 v35, v34;
	v35 =	vmul.f32 v36, v14;
	v36 =	vmul.f32 v39, v42;
	v39 =	vld.idx.msk [tilespmem:v47+s13+$0x0], $0xffff  }
0xf1: {  	v47 =	vor.u32 $0x15, v33;
	v42 =	vld.idx.msk [tilespmem:v43+s12+$0x0], $0xffff  }
0xf2: {  	v34 =	vadd.f32 v35, v34;
	v35 =	vmul.f32 v36, v15;
	v36 =	vmul.f32 v37, v40;
	v37 =	vld.idx.msk [tilespmem:v43+s13+$0x0], $0xffff  }
0xf3: {  	v43 =	vor.u32 $0x16, v33;
	v40 =	vld.idx.msk [tilespmem:v44+s12+$0x0], $0xffff  }
0xf4: {  	v34 =	vadd.f32 v35, v34;
	v35 =	vmul.f32 v36, v16;
	v36 =	vmul.f32 v38, v41;
	v38 =	vld.idx.msk [tilespmem:v44+s13+$0x0], $0xffff  }
0xf5: {  	v44 =	vor.u32 $0x17, v33;
	v41 =	vld.idx.msk [tilespmem:v46+s12+$0x0], $0xffff  }
0xf6: {  	v34 =	vadd.f32 v35, v34;
	v35 =	vmul.f32 v36, v17;
	v36 =	vmul.f32 v39, v45;
	v39 =	vld.idx.msk [tilespmem:v46+s13+$0x0], $0xffff  }
0xf7: {  	v46 =	vor.u32 $0x18, v33;
	v45 =	vld.idx.msk [tilespmem:v47+s12+$0x0], $0xffff  }
0xf8: {  	v34 =	vadd.f32 v35, v34;
	v35 =	vmul.f32 v36, v18;
	v36 =	vmul.f32 v37, v42;
	v37 =	vld.idx.msk [tilespmem:v47+s13+$0x0], $0xffff  }
0xf9: {  	v47 =	vor.u32 $0x19, v33;
	v42 =	vld.idx.msk [tilespmem:v43+s12+$0x0], $0xffff  }
0xfa: {  	v34 =	vadd.f32 v35, v34;
	v35 =	vmul.f32 v36, v19;
	v36 =	vmul.f32 v38, v40;
	v38 =	vld.idx.msk [tilespmem:v43+s13+$0x0], $0xffff  }
0xfb: {  	v43 =	vor.u32 $0x1A, v33;
	v40 =	vld.idx.msk [tilespmem:v44+s12+$0x0], $0xffff  }
0xfc: {  	v34 =	vadd.f32 v35, v34;
	v35 =	vmul.f32 v36, v20;
	v36 =	vmul.f32 v39, v41;
	v39 =	vld.idx.msk [tilespmem:v44+s13+$0x0], $0xffff  }
0xfd: {  	v44 =	vor.u32 $0x1B, v33;
	v41 =	vld.idx.msk [tilespmem:v46+s12+$0x0], $0xffff  }
0xfe: {  	v34 =	vadd.f32 v35, v34;
	v35 =	vmul.f32 v36, v21;
	v36 =	vmul.f32 v37, v45;
	v37 =	vld.idx.msk [tilespmem:v46+s13+$0x0], $0xffff  }
0xff: {  	v46 =	vor.u32 $0x1C, v33;
	v45 =	vld.idx.msk [tilespmem:v47+s12+$0x0], $0xffff  }
0x100: {  	v34 =	vadd.f32 v35, v34;
	v35 =	vmul.f32 v36, v22;
	v36 =	vmul.f32 v38, v42;
	v38 =	vld.idx.msk [tilespmem:v47+s13+$0x0], $0xffff  }
0x101: {  	v47 =	vor.u32 $0x1D, v33;
	v42 =	vld.idx.msk [tilespmem:v43+s12+$0x0], $0xffff  }
0x102: {  	v34 =	vadd.f32 v35, v34;
	v35 =	vmul.f32 v36, v23;
	v36 =	vmul.f32 v39, v40;
	v39 =	vld.idx.msk [tilespmem:v43+s13+$0x0], $0xffff  }
0x103: {  	v43 =	vor.u32 $0x1E, v33;
	v40 =	vld.idx.msk [tilespmem:v44+s12+$0x0], $0xffff  }
0x104: {  	v34 =	vadd.f32 v35, v34;
	v35 =	vmul.f32 v36, v24;
	v36 =	vmul.f32 v37, v41;
	v37 =	vld.idx.msk [tilespmem:v44+s13+$0x0], $0xffff  }
0x105: {  	v33 =	vor.u32 $0x1F, v33;
	v41 =	vld.idx.msk [tilespmem:v46+s12+$0x0], $0xffff  }
0x106: {  	v34 =	vadd.f32 v35, v34;
	v35 =	vmul.f32 v36, v25;
	v36 =	vmul.f32 v38, v45;
	v38 =	vld.idx.msk [tilespmem:v46+s13+$0x0], $0xffff  }
0x107: {  	v44 =	vld.idx.msk [tilespmem:v47+s12+$0x0], $0xffff  }
0x108: {  	v34 =	vadd.f32 v35, v34;
	v35 =	vmul.f32 v36, v26;
	v36 =	vmul.f32 v39, v42;
	v39 =	vld.idx.msk [tilespmem:v47+s13+$0x0], $0xffff  }
0x109: {  	v42 =	vld.idx.msk [tilespmem:v43+s12+$0x0], $0xffff  }
0x10a: {  	v34 =	vadd.f32 v35, v34;
	v35 =	vmul.f32 v36, v27;
	v36 =	vmul.f32 v37, v40;
	v37 =	vld.idx.msk [tilespmem:v43+s13+$0x0], $0xffff  }
0x10b: {  	v40 =	vld.idx.msk [tilespmem:v33+s12+$0x0], $0xffff  }
0x10c: {  	v34 =	vadd.f32 v35, v34;
	v35 =	vmul.f32 v36, v28;
	v36 =	vmul.f32 v38, v41;
	v33 =	vld.idx.msk [tilespmem:v33+s13+$0x0], $0xffff;
	_ =	sdelay $0x1  }
0x10d: {  	v34 =	vadd.f32 v35, v34;
	v35 =	vmul.f32 v36, v29;
	v36 =	vmul.f32 v39, v44;
	_ =	sdelay $0x1  }
0x10e: {  	v34 =	vadd.f32 v35, v34;
	v35 =	vmul.f32 v36, v30;
	v36 =	vmul.f32 v37, v42;
	_ =	sdelay $0x1  }
0x10f: {  	v34 =	vadd.f32 v35, v34;
	v35 =	vmul.f32 v36, v31;
	v33 =	vmul.f32 v33, v40;
	_ =	sdelay $0x1  }
0x110: {  	v34 =	vadd.f32 v35, v34;
	v33 =	vmul.f32 v33, v32;
	_ =	sdelay $0x1  }
0x111: {  	v33 =	vadd.f32 v33, v34;
	_ =	sdelay $0x1  }
0x112: {  	v33 =	vsub.f32 $0.0e+00, v33;
	_ =	sdelay $0x1  }
0x113: {  	v33 =	vmul.f32 $1.442695020e+00, v33;
	_ =	sdelay $0x1  }
0x114: {  	(erf) = vpow2.f32 v33;
	_ =	sdelay $0x8  }
0x115: {  	v33 =	vpop (erf)  }
0x116: {  	v33 =	vadd.f32 $1.000000000e+00, v33;
	_ =	sdelay $0x1  }
0x117: {  	(erf) = vrcp.f32 v33  }
.Ltmp0:
0x118: {  	(pc) =	sbr.rel @p0 .LBB2_2-.Ltmp0, $3  }
0x119: {  	_ =	sdelay $0x1  }
0x11a: {  	v33 =	vmov s19  }
0x11b: {  	s19 =	sadd.s32 $0x10, s19;
	v33 =	vshll.u32 v33, $0x5  }
0x11c: {  	v33 =	vor.u32 v0, v33;
	_ =	sdelay $0x1  }
0x11d: {  	v34 =	vor.u32 $0x1, v33  }
0x11e: {  	s18 =	sadd.s32 $0x10, s18;
	v35 =	vpop (erf)  }
0x11f: {  	v36 =	vor.u32 $0x2, v33;
	[tilespmem:s18+$0x0] =	vst v35  }
0x120: {  	v35 =	vld.idx.msk [tilespmem:v33+s13+$0x0], $0xffff  }
0x121: {  	v38 =	vor.u32 $0x3, v33;
	v37 =	vld.idx.msk [tilespmem:v33+s12+$0x0], $0xffff  }
0x122: {  	v39 =	vld.idx.msk [tilespmem:v34+s12+$0x0], $0xffff  }
0x123: {  	v40 =	vor.u32 $0x4, v33;
	v34 =	vld.idx.msk [tilespmem:v34+s13+$0x0], $0xffff  }
0x124: {  	v41 =	vld.idx.msk [tilespmem:v36+s12+$0x0], $0xffff  }
0x125: {  	v42 =	vor.u32 $0x5, v33;
	v36 =	vld.idx.msk [tilespmem:v36+s13+$0x0], $0xffff  }
0x126: {  	v43 =	vld.idx.msk [tilespmem:v38+s12+$0x0], $0xffff;
	v35 =	vmul.f32 v35, v37  }
0x127: {  	v52 =	vor.u32 $0x6, v33;
	v51 =	vld.idx.msk [tilespmem:v38+s13+$0x0], $0xffff  }
0x128: {  	v44 =	vld.idx.msk [tilespmem:v40+s12+$0x0], $0xffff;
	v34 =	vmul.f32 v34, v39;
	v5 =	vmul.f32 v35, v5  }
0x129: {  	v54 =	vor.u32 $0x7, v33;
	v53 =	vld.idx.msk [tilespmem:v40+s13+$0x0], $0xffff  }
0x12a: {  	v55 =	vld.idx.msk [tilespmem:v42+s12+$0x0], $0xffff;
	v56 =	vmul.f32 v36, v41;
	v1 =	vmul.f32 v34, v1;
	v5 =	vadd.f32 $0.0e+00, v5  }
0x12b: {  	v57 =	vor.u32 $0x8, v33;
	v58 =	vld.idx.msk [tilespmem:v42+s13+$0x0], $0xffff  }
0x12c: {  	v59 =	vld.idx.msk [tilespmem:v52+s12+$0x0], $0xffff;
	v60 =	vmul.f32 v51, v43;
	v2 =	vmul.f32 v56, v2;
	v1 =	vadd.f32 v1, v5  }
0x12d: {  	v61 =	vor.u32 $0x9, v33;
	v62 =	vld.idx.msk [tilespmem:v52+s13+$0x0], $0xffff  }
0x12e: {  	v63 =	vld.idx.msk [tilespmem:v54+s12+$0x0], $0xffff;
	v1 =	vadd.f32 v2, v1;
	v2 =	vmul.f32 v60, v3;
	v3 =	vmul.f32 v53, v44  }
0x12f: {  	v45 =	vor.u32 $0xA, v33;
	v46 =	vld.idx.msk [tilespmem:v54+s13+$0x0], $0xffff  }
0x130: {  	v47 =	vld.idx.msk [tilespmem:v57+s12+$0x0], $0xffff;
	v1 =	vadd.f32 v2, v1;
	v2 =	vmul.f32 v3, v4;
	v3 =	vmul.f32 v58, v55  }
0x131: {  	v48 =	vor.u32 $0xB, v33;
	v36 =	vld.idx.msk [tilespmem:v57+s13+$0x0], $0xffff  }
0x132: {  	v49 =	vld.idx.msk [tilespmem:v61+s12+$0x0], $0xffff;
	v1 =	vadd.f32 v2, v1;
	v2 =	vmul.f32 v3, v6;
	v3 =	vmul.f32 v62, v59  }
0x133: {  	v50 =	vor.u32 $0xC, v33;
	v34 =	vld.idx.msk [tilespmem:v61+s13+$0x0], $0xffff  }
0x134: {  	v51 =	vld.idx.msk [tilespmem:v45+s12+$0x0], $0xffff;
	v1 =	vadd.f32 v2, v1;
	v2 =	vmul.f32 v3, v7;
	v3 =	vmul.f32 v46, v63  }
0x135: {  	v52 =	vor.u32 $0xD, v33;
	v5 =	vld.idx.msk [tilespmem:v45+s13+$0x0], $0xffff  }
0x136: {  	v53 =	vld.idx.msk [tilespmem:v48+s12+$0x0], $0xffff;
	v1 =	vadd.f32 v2, v1;
	v2 =	vmul.f32 v3, v8;
	v3 =	vmul.f32 v36, v47  }
0x137: {  	v54 =	vor.u32 $0xE, v33;
	v4 =	vld.idx.msk [tilespmem:v48+s13+$0x0], $0xffff  }
0x138: {  	v55 =	vld.idx.msk [tilespmem:v50+s12+$0x0], $0xffff;
	v1 =	vadd.f32 v2, v1;
	v2 =	vmul.f32 v3, v9;
	v3 =	vmul.f32 v34, v49  }
0x139: {  	v56 =	vor.u32 $0xF, v33;
	v6 =	vld.idx.msk [tilespmem:v50+s13+$0x0], $0xffff  }
0x13a: {  	v57 =	vld.idx.msk [tilespmem:v52+s12+$0x0], $0xffff;
	v1 =	vadd.f32 v2, v1;
	v2 =	vmul.f32 v3, v10;
	v3 =	vmul.f32 v5, v51  }
0x13b: {  	v58 =	vor.u32 $0x10, v33;
	v7 =	vld.idx.msk [tilespmem:v52+s13+$0x0], $0xffff  }
0x13c: {  	v59 =	vld.idx.msk [tilespmem:v54+s12+$0x0], $0xffff;
	v1 =	vadd.f32 v2, v1;
	v2 =	vmul.f32 v3, v11;
	v3 =	vmul.f32 v4, v53  }
0x13d: {  	v60 =	vor.u32 $0x11, v33;
	v8 =	vld.idx.msk [tilespmem:v54+s13+$0x0], $0xffff  }
0x13e: {  	v61 =	vld.idx.msk [tilespmem:v56+s12+$0x0], $0xffff;
	v1 =	vadd.f32 v2, v1;
	v2 =	vmul.f32 v3, v12;
	v3 =	vmul.f32 v6, v55  }
0x13f: {  	v62 =	vor.u32 $0x12, v33;
	v9 =	vld.idx.msk [tilespmem:v56+s13+$0x0], $0xffff  }
0x140: {  	v63 =	vld.idx.msk [tilespmem:v58+s12+$0x0], $0xffff;
	v1 =	vadd.f32 v2, v1;
	v2 =	vmul.f32 v3, v13;
	v3 =	vmul.f32 v7, v57  }
0x141: {  	v35 =	vor.u32 $0x13, v33;
	v5 =	vld.idx.msk [tilespmem:v58+s13+$0x0], $0xffff  }
0x142: {  	v36 =	vld.idx.msk [tilespmem:v60+s12+$0x0], $0xffff;
	v1 =	vadd.f32 v2, v1;
	v2 =	vmul.f32 v3, v14;
	v3 =	vmul.f32 v8, v59  }
0x143: {  	v37 =	vor.u32 $0x14, v33;
	v4 =	vld.idx.msk [tilespmem:v60+s13+$0x0], $0xffff  }
0x144: {  	v38 =	vld.idx.msk [tilespmem:v62+s12+$0x0], $0xffff;
	v1 =	vadd.f32 v2, v1;
	v2 =	vmul.f32 v3, v15;
	v3 =	vmul.f32 v9, v61  }
0x145: {  	v39 =	vor.u32 $0x15, v33;
	v6 =	vld.idx.msk [tilespmem:v62+s13+$0x0], $0xffff  }
0x146: {  	v40 =	vld.idx.msk [tilespmem:v35+s12+$0x0], $0xffff;
	v1 =	vadd.f32 v2, v1;
	v2 =	vmul.f32 v3, v16;
	v3 =	vmul.f32 v5, v63  }
0x147: {  	v41 =	vor.u32 $0x16, v33;
	v7 =	vld.idx.msk [tilespmem:v35+s13+$0x0], $0xffff  }
0x148: {  	v42 =	vld.idx.msk [tilespmem:v37+s12+$0x0], $0xffff;
	v1 =	vadd.f32 v2, v1;
	v2 =	vmul.f32 v3, v17;
	v3 =	vmul.f32 v4, v36  }
0x149: {  	v43 =	vor.u32 $0x17, v33;
	v8 =	vld.idx.msk [tilespmem:v37+s13+$0x0], $0xffff  }
0x14a: {  	v44 =	vld.idx.msk [tilespmem:v39+s12+$0x0], $0xffff;
	v1 =	vadd.f32 v2, v1;
	v2 =	vmul.f32 v3, v18;
	v3 =	vmul.f32 v6, v38  }
0x14b: {  	v45 =	vor.u32 $0x18, v33;
	v9 =	vld.idx.msk [tilespmem:v39+s13+$0x0], $0xffff  }
0x14c: {  	v46 =	vld.idx.msk [tilespmem:v41+s12+$0x0], $0xffff;
	v1 =	vadd.f32 v2, v1;
	v2 =	vmul.f32 v3, v19;
	v3 =	vmul.f32 v7, v40  }
0x14d: {  	v47 =	vor.u32 $0x19, v33;
	v5 =	vld.idx.msk [tilespmem:v41+s13+$0x0], $0xffff  }
0x14e: {  	v48 =	vld.idx.msk [tilespmem:v43+s12+$0x0], $0xffff;
	v1 =	vadd.f32 v2, v1;
	v2 =	vmul.f32 v3, v20;
	v3 =	vmul.f32 v8, v42  }
0x14f: {  	v49 =	vor.u32 $0x1A, v33;
	v4 =	vld.idx.msk [tilespmem:v43+s13+$0x0], $0xffff  }
0x150: {  	v50 =	vld.idx.msk [tilespmem:v45+s12+$0x0], $0xffff;
	v1 =	vadd.f32 v2, v1;
	v2 =	vmul.f32 v3, v21;
	v3 =	vmul.f32 v9, v44  }
0x151: {  	v51 =	vor.u32 $0x1B, v33;
	v6 =	vld.idx.msk [tilespmem:v45+s13+$0x0], $0xffff  }
0x152: {  	v52 =	vld.idx.msk [tilespmem:v47+s12+$0x0], $0xffff;
	v1 =	vadd.f32 v2, v1;
	v2 =	vmul.f32 v3, v22;
	v3 =	vmul.f32 v5, v46  }
0x153: {  	v53 =	vor.u32 $0x1C, v33;
	v7 =	vld.idx.msk [tilespmem:v47+s13+$0x0], $0xffff  }
0x154: {  	v54 =	vld.idx.msk [tilespmem:v49+s12+$0x0], $0xffff;
	v1 =	vadd.f32 v2, v1;
	v2 =	vmul.f32 v3, v23;
	v3 =	vmul.f32 v4, v48  }
0x155: {  	v55 =	vor.u32 $0x1D, v33;
	v8 =	vld.idx.msk [tilespmem:v49+s13+$0x0], $0xffff  }
0x156: {  	v56 =	vld.idx.msk [tilespmem:v51+s12+$0x0], $0xffff;
	v1 =	vadd.f32 v2, v1;
	v2 =	vmul.f32 v3, v24;
	v3 =	vmul.f32 v6, v50  }
0x157: {  	v57 =	vor.u32 $0x1E, v33;
	v9 =	vld.idx.msk [tilespmem:v51+s13+$0x0], $0xffff  }
0x158: {  	v58 =	vld.idx.msk [tilespmem:v53+s12+$0x0], $0xffff;
	v1 =	vadd.f32 v2, v1;
	v2 =	vmul.f32 v3, v25;
	v3 =	vmul.f32 v7, v52  }
0x159: {  	v59 =	vor.u32 $0x1F, v33;
	v5 =	vld.idx.msk [tilespmem:v53+s13+$0x0], $0xffff  }
0x15a: {  	v60 =	vld.idx.msk [tilespmem:v55+s12+$0x0], $0xffff;
	v1 =	vadd.f32 v2, v1;
	v2 =	vmul.f32 v3, v26;
	v3 =	vmul.f32 v8, v54  }
0x15b: {  	v4 =	vld.idx.msk [tilespmem:v55+s13+$0x0], $0xffff  }
0x15c: {  	v61 =	vld.idx.msk [tilespmem:v57+s12+$0x0], $0xffff;
	v1 =	vadd.f32 v2, v1;
	v2 =	vmul.f32 v3, v27;
	v3 =	vmul.f32 v9, v56  }
0x15d: {  	v6 =	vld.idx.msk [tilespmem:v57+s13+$0x0], $0xffff  }
0x15e: {  	v62 =	vld.idx.msk [tilespmem:v59+s12+$0x0], $0xffff;
	v1 =	vadd.f32 v2, v1;
	v2 =	vmul.f32 v3, v28;
	v3 =	vmul.f32 v5, v58  }
0x15f: {  	v63 =	vld.idx.msk [tilespmem:v59+s13+$0x0], $0xffff  }
0x160: {  	v1 =	vadd.f32 v2, v1;
	v2 =	vmul.f32 v3, v29;
	v3 =	vmul.f32 v4, v60;
	_ =	sdelay $0x1  }
0x161: {  	v1 =	vadd.f32 v2, v1;
	v2 =	vmul.f32 v3, v30;
	v3 =	vmul.f32 v6, v61;
	_ =	sdelay $0x1  }
0x162: {  	v1 =	vadd.f32 v2, v1;
	v2 =	vmul.f32 v3, v31;
	v3 =	vmul.f32 v63, v62;
	_ =	sdelay $0x1  }
0x163: {  	v1 =	vadd.f32 v2, v1;
	v2 =	vmul.f32 v3, v32;
	_ =	sdelay $0x1  }
0x164: {  	v1 =	vadd.f32 v2, v1;
	_ =	sdelay $0x1  }
0x165: {  	v1 =	vsub.f32 $0.0e+00, v1;
	_ =	sdelay $0x1  }
0x166: {  	v1 =	vmul.f32 $1.442695020e+00, v1;
	_ =	sdelay $0x1  }
0x167: {  	(erf) = vpow2.f32 v1;
	_ =	sdelay $0x8  }
0x168: {  	v1 =	vpop (erf)  }
0x169: {  	v1 =	vadd.f32 $1.000000000e+00, v1;
	_ =	sdelay $0x1  }
0x16a: {  	(erf) = vrcp.f32 v1;
	_ =	sdelay $0x7  }
0x16b: {  	s17 =	sadd.s32 $0x1, s17  }
0x16c: {  	p0 =	sne.s32 s17, s8;
	s18 =	sadd.s32 $0x10, s18;
	v1 =	vpop (erf)  }
.Ltmp1:
0x16d: {  	[tilespmem:s18+$0x0] =	vst v1;
	(pc) =	sbr.rel @p0 .LBB2_1-.Ltmp1, $4  }
0x16e: {  	[hbm4b:s7+s3] =	stream.linear.scatter [tilespmem:s16], [sflag:$0x3], $0x200, $0x38;
	[tilespmem:$0x8620] =	vst v63  }
0x16f: {  	_ =	swait.ge [sflag:s9], $0x200  }
0x170: {  	[sflag:s9] =	ssyncset.done $0x0  }
0x171: {  	[sflag:s9] =	ssyncadd.s32 $0xFFFFFE00  }
0x172: {  	_ =	sfence.sel $0x180000  }
0x173: {  	[bflag:$0x0] =	sbarrier.arrive $0xFFFF  }
0x174: {  	p0 =	sne.s32 s1, $0x0;
	_ =	strace $0x90000047  }
0x175: {  	s0 =	sadd.s32 @!p0 $0x100000, s0;
	[bflag:$0x2] =	sbarrier.arrive $0xFFFF  }
0x176: {  	[sflag:s0] =	ssyncadd.tile.s32 @!p0 $0x1;
	_ =	shalt  }
.Lfunc_end2:
_tile_overlayer_lowered:
.L_overlay_start_2:
0x177: {  	(tag) =	ssettag $0x2  }
0x178: {  	s0 =	rddreg [dreg:$0x0];
	s2 =	stileid.u32  }
0x179: {  	s1 =	rddreg [dreg:$0x1];
	p0 =	sne.s32 s2, $0x0  }
0x17a: {  	s3 =	rddreg [dreg:$0x2];
	[bflag:$0x3] =	sbarrier.arrive $0xFFFF;
	s2 =	simm.s32 @!p0 $0x1C03  }
0x17b: {  	[timem:s3], [sflag:s2] =	dma.local @!p0 [hbm:s0], s1  }
0x17c: {  	s0 =	simm.s32 @!p0 $0x3  }
0x17d: {  	_ =	swait.ge @!p0 [sflag:s0], s1  }
0x17e: {  	s1 =	ssub.s32 @!p0 $0x0, s1;
	[sflag:s0] =	ssyncset.done @!p0 $0x0  }
0x17f: {  	[sflag:s0] =	ssyncadd.s32 @!p0 s1  }
0x180: {  	[bflag:$0x3] =	sbarrier.arrive $0xFFFF  }
0x181: {  	_ =	shalt  }

</sc_bundles>
